<compile_context>
chip_gen: v7x
topology: tpu7x:2x2x1
jax: 0.10.2.dev20260603
libtpu: 0.0.44.dev20260713+nightly
codegen_flags: <defaults>
</compile_context>

<pallas_src>
import functools

import jax
import jax.numpy as jnp
from jax import lax
from jax.experimental import pallas as pl
from jax.experimental.pallas import tpu as pltpu
from jax.experimental.pallas import tpu_sc as plsc

_V = 1000
_D = 252
_DP = 256
_NI = 4096
_NJ = 26
_NW = 32
_IPW = _NI // _NW
_KH = _IPW // 2
_NPAIR = _NJ // 2

_mesh = plsc.VectorSubcoreMesh(core_axis_name="c", subcore_axis_name="s")


@functools.partial(
    pl.kernel,
    out_type=jax.ShapeDtypeStruct((_NJ, _NI, _D), jnp.float32),
    mesh=_mesh,
    scratch_types=[
        pltpu.VMEM((_NJ, _IPW), jnp.int32),
        pltpu.VMEM((_IPW, _DP), jnp.float32),
        pltpu.VMEM((_IPW, _DP), jnp.float32),
        pltpu.VMEM((_KH, _D), jnp.float32),
        pltpu.VMEM((_KH, _D), jnp.float32),
        pltpu.SemaphoreType.DMA,
        pltpu.SemaphoreType.DMA,
        pltpu.SemaphoreType.DMA,
        pltpu.SemaphoreType.DMA,
    ],
)
def _gather_sc(xt_hbm, di_hbm, out_hbm, idx_v, buf0, buf1, cbuf0, cbuf1,
               sg0, sg1, sw0, sw1):
    wid = lax.axis_index("s") * 2 + lax.axis_index("c")
    i_base = wid * _IPW
    pltpu.sync_copy(xt_hbm.at[:, pl.ds(i_base, _IPW)], idx_v)

    def idx_of(j):
        return idx_v.at[j]

    def out_of(j, s):
        return out_hbm.at[j, pl.ds(i_base + s * _KH, _KH)]

    def compact_half(buf, cbuf, s):
        def row_body(r, rcarry):
            for k in range(15):
                cbuf[r, pl.ds(16 * k, 16)] = buf[s * _KH + r, pl.ds(16 * k, 16)]
            cbuf[r, pl.ds(_D - 16, 16)] = buf[s * _KH + r, pl.ds(_D - 16, 16)]
            return rcarry

        lax.fori_loop(0, _KH, row_body, 0)

    def process(buf, j, first):
        @pl.when(jnp.logical_not(first))
        def _wait_w0():
            pltpu.make_async_copy(cbuf0, out_of(j - 1, 0), sw0).wait()

        compact_half(buf, cbuf0, 0)
        pltpu.async_copy(cbuf0, out_of(j, 0), sw0)

        @pl.when(jnp.logical_not(first))
        def _wait_w1():
            pltpu.make_async_copy(cbuf1, out_of(j - 1, 1), sw1).wait()

        compact_half(buf, cbuf1, 1)
        pltpu.async_copy(cbuf1, out_of(j, 1), sw1)

    pltpu.async_copy(di_hbm.at[idx_of(0)], buf0, sg0)

    def pair_body(h, carry):
        j0 = 2 * h

        pltpu.make_async_copy(di_hbm.at[idx_of(j0)], buf0, sg0).wait()
        pltpu.async_copy(di_hbm.at[idx_of(j0 + 1)], buf1, sg1)
        process(buf0, j0, h == 0)

        @pl.when(h < _NPAIR - 1)
        def _g0():
            pltpu.async_copy(di_hbm.at[idx_of(j0 + 2)], buf0, sg0)

        pltpu.make_async_copy(di_hbm.at[idx_of(j0 + 1)], buf1, sg1).wait()
        process(buf1, j0 + 1, False)
        return carry

    lax.fori_loop(0, _NPAIR, pair_body, 0)
    pltpu.make_async_copy(cbuf0, out_of(_NJ - 1, 0), sw0).wait()
    pltpu.make_async_copy(cbuf1, out_of(_NJ - 1, 1), sw1).wait()


def kernel(x, di):
    xt = x.T.astype(jnp.int32)
    di_pad = jnp.pad(di, ((0, 0), (0, _DP - _D)))
    out = _gather_sc(xt, di_pad)
    return out.transpose(1, 0, 2)

# --- scband reference (transcript-rebuilt; emitter-appended) ---
"""Pipeline reference for scband-e2jmj-transform-38929583571139 (READ-ONLY COPY).

The authoritative reference and input builder live on the scoring server;
editing this copy changes nothing except your own understanding.
"""

import jax, jax.numpy as jnp
import numpy as np

VRANGE = 1000
BITS = VRANGE // 4 + 2  # 252

def setup_inputs(seed: int = 0) -> dict:
    key = jax.random.key(seed)
    k1, k2 = jax.random.split(key)
    # indices into the coding table (module does di[x])
    x = jax.random.randint(k1, (4096, 26), 0, VRANGE, dtype=jnp.int64)
    # di stands in for torch.transpose(pickle_table, 0, 1): shape [vrange, bits]
    di = jax.random.normal(k2, (VRANGE, BITS), dtype=jnp.float32)
    return {"x": x, "di": di}

def reference(x, di):
    # forward: a = self.di[x]  (row gather from the coding table)
    a = jnp.take(di, x, axis=0)
    return a

if __name__ == "__main__":
    import jax
    _d = setup_inputs()
    print(jax.jit(kernel)(*tuple(_d.values())))

</pallas_src>

<mosaic_0001>
#map = affine_map<(d0, d1) -> (0, 0)>
#map1 = affine_map<(d0, d1) -> (0, 0, 0)>
module attributes {stable_mosaic.version = 14 : i64} {
  func.func @_gather_sc(%arg0: i32, %arg1: i32, %arg2: memref<26x4096xi32, #tpu.memory_space<hbm>>, %arg3: memref<1000x256xf32, #tpu.memory_space<hbm>>, %arg4: memref<26x4096x252xf32, #tpu.memory_space<hbm>>, %arg5: memref<26x128xi32, #tpu.memory_space<vmem>>, %arg6: memref<128x256xf32, #tpu.memory_space<vmem>>, %arg7: memref<128x256xf32, #tpu.memory_space<vmem>>, %arg8: memref<64x252xf32, #tpu.memory_space<vmem>>, %arg9: memref<64x252xf32, #tpu.memory_space<vmem>>, %arg10: memref<!tpu.dma_semaphore, #tpu.memory_space<semaphore_mem>>, %arg11: memref<!tpu.dma_semaphore, #tpu.memory_space<semaphore_mem>>, %arg12: memref<!tpu.dma_semaphore, #tpu.memory_space<semaphore_mem>>, %arg13: memref<!tpu.dma_semaphore, #tpu.memory_space<semaphore_mem>>) attributes {dimension_semantics = [#tpu.dimension_semantics<core_parallel>, #tpu.dimension_semantics<subcore_parallel>], iteration_bounds = array<i64: 2, 16>, scalar_prefetch = 0 : i64, scratch_operands = 9 : i64, tpu.core_type = #tpu.core_type<sc_vector_subcore>, window_params = [{transform_indices = #map}, {transform_indices = #map}, {transform_indices = #map1}]} {
    %mul3A = arith.constant 2 : i32
    %mul3A_0 = arith.muli %arg1, %mul3A : i32
    %add3A = arith.addi %mul3A_0, %arg0 : i32
    %mul3A_1 = arith.constant 128 : i32
    %mul3A_2 = arith.muli %add3A, %mul3A_1 : i32
    "tpu.region"() ({
      %run_scoped3A = tpu.sem_alloc : memref<!tpu.dma_semaphore, #tpu.memory_space<semaphore_mem>>
      %dma_start3A_31 = arith.constant 0 : i32
      %dma_start3A_32 = tpu.memref_slice %arg2[%dma_start3A_31, %mul3A_2] : memref<26x4096xi32, #tpu.memory_space<hbm>> -> memref<26x128xi32, #tpu.memory_space<hbm>>
      %dma_start3A_33 = arith.constant 0 : i32
      %dma_start3A_34 = tpu.memref_slice %arg2[%dma_start3A_33, %mul3A_2] : memref<26x4096xi32, #tpu.memory_space<hbm>> -> memref<26x128xi32, #tpu.memory_space<hbm>>
      tpu.enqueue_dma source(%dma_start3A_34 : memref<26x128xi32, #tpu.memory_space<hbm>>) target(%arg5 : memref<26x128xi32, #tpu.memory_space<vmem>>) target_semaphore(%run_scoped3A : memref<!tpu.dma_semaphore, #tpu.memory_space<semaphore_mem>>)
      %dma_wait3A_35 = arith.constant 0 : i32
      %dma_wait3A_36 = tpu.memref_slice %arg2[%dma_wait3A_35, %mul3A_2] : memref<26x4096xi32, #tpu.memory_space<hbm>> -> memref<26x128xi32, #tpu.memory_space<hbm>>
      %dma_wait3A_37 = arith.constant 0 : i32
      %dma_wait3A_38 = tpu.memref_slice %arg2[%dma_wait3A_37, %mul3A_2] : memref<26x4096xi32, #tpu.memory_space<hbm>> -> memref<26x128xi32, #tpu.memory_space<hbm>>
      tpu.wait_dma2 semaphore(%run_scoped3A : memref<!tpu.dma_semaphore, #tpu.memory_space<semaphore_mem>>) src(%dma_wait3A_38 : memref<26x128xi32, #tpu.memory_space<hbm>>) dst(%arg5 : memref<26x128xi32, #tpu.memory_space<vmem>>)
      tpu.yield
    }) : () -> ()
    %dma_start3A = arith.constant 0 : i32
    %dma_start3A_3 = arith.constant 0 : i32
    %dma_start3A_4 = tpu.memref_slice %arg5[%dma_start3A, %dma_start3A_3] : memref<26x128xi32, #tpu.memory_space<vmem>> -> memref<1x128xi32, #tpu.memory_space<vmem>>
    %dma_start3A_5 = tpu.memref_squeeze %dma_start3A_4 : memref<1x128xi32, #tpu.memory_space<vmem>> -> memref<128xi32, #tpu.memory_space<vmem>>
    %dma_start3A_6 = arith.constant 0 : i32
    %dma_start3A_7 = arith.constant 0 : i32
    %dma_start3A_8 = tpu.memref_slice %arg3[%dma_start3A_6, %dma_start3A_7] : memref<1000x256xf32, #tpu.memory_space<hbm>> -> memref<1000x256xf32, #tpu.memory_space<hbm>>
    tpu.enqueue_indirect_dma source(%dma_start3A_8 : memref<1000x256xf32, #tpu.memory_space<hbm>>) target(%arg6 : memref<128x256xf32, #tpu.memory_space<vmem>>) offsets(%dma_start3A_5 : memref<128xi32, #tpu.memory_space<vmem>>) semaphore(%arg10 : memref<!tpu.dma_semaphore, #tpu.memory_space<semaphore_mem>>)
    %scan3A = arith.constant 0 : i32
    %scan3A_9 = arith.constant 0 : i32
    %scan3A_10 = arith.constant 13 : i32
    %scan3A_11 = arith.addi %scan3A_9, %scan3A_10 : i32
    %scan3A_12 = arith.constant 1 : i32
    scf.for %scan3A_31 = %scan3A_9 to %scan3A_11 step %scan3A_12  : i32 {
      %mul3A_32 = arith.constant 2 : i32
      %mul3A_33 = arith.muli %mul3A_32, %scan3A_31 : i32
      %dma_wait3A_34 = arith.constant 0 : i32
      %dma_wait3A_35 = tpu.memref_slice %arg5[%mul3A_33, %dma_wait3A_34] : memref<26x128xi32, #tpu.memory_space<vmem>> -> memref<1x128xi32, #tpu.memory_space<vmem>>
      %dma_wait3A_36 = tpu.memref_squeeze %dma_wait3A_35 : memref<1x128xi32, #tpu.memory_space<vmem>> -> memref<128xi32, #tpu.memory_space<vmem>>
      %dma_wait3A_37 = arith.constant 0 : i32
      %dma_wait3A_38 = arith.constant 0 : i32
      %dma_wait3A_39 = tpu.memref_slice %arg3[%dma_wait3A_37, %dma_wait3A_38] : memref<1000x256xf32, #tpu.memory_space<hbm>> -> memref<1000x256xf32, #tpu.memory_space<hbm>>
      tpu.wait_indirect_dma semaphore(%arg10 : memref<!tpu.dma_semaphore, #tpu.memory_space<semaphore_mem>>) src(%dma_wait3A_39 : memref<1000x256xf32, #tpu.memory_space<hbm>>) dst(%arg6 : memref<128x256xf32, #tpu.memory_space<vmem>>)
      %add3A_40 = arith.constant 1 : i32
      %add3A_41 = arith.addi %mul3A_33, %add3A_40 : i32
      %dma_start3A_42 = arith.constant 0 : i32
      %dma_start3A_43 = tpu.memref_slice %arg5[%add3A_41, %dma_start3A_42] : memref<26x128xi32, #tpu.memory_space<vmem>> -> memref<1x128xi32, #tpu.memory_space<vmem>>
      %dma_start3A_44 = tpu.memref_squeeze %dma_start3A_43 : memref<1x128xi32, #tpu.memory_space<vmem>> -> memref<128xi32, #tpu.memory_space<vmem>>
      %dma_start3A_45 = arith.constant 0 : i32
      %dma_start3A_46 = arith.constant 0 : i32
      %dma_start3A_47 = tpu.memref_slice %arg3[%dma_start3A_45, %dma_start3A_46] : memref<1000x256xf32, #tpu.memory_space<hbm>> -> memref<1000x256xf32, #tpu.memory_space<hbm>>
      tpu.enqueue_indirect_dma source(%dma_start3A_47 : memref<1000x256xf32, #tpu.memory_space<hbm>>) target(%arg7 : memref<128x256xf32, #tpu.memory_space<vmem>>) offsets(%dma_start3A_44 : memref<128xi32, #tpu.memory_space<vmem>>) semaphore(%arg11 : memref<!tpu.dma_semaphore, #tpu.memory_space<semaphore_mem>>)
      %eq3A = arith.constant 0 : i32
      %eq3A_48 = arith.cmpi eq, %scan3A_31, %eq3A : i32
      %not3A = arith.constant true
      %not3A_49 = arith.xori %eq3A_48, %not3A : i1
      %convert_element_type3A = arith.extui %not3A_49 : i1 to i32
      %cond3A = arith.constant 0 : i32
      %cond3A_50 = arith.cmpi ne, %convert_element_type3A, %cond3A : i32
      scf.if %cond3A_50 {
        %sub3A = arith.constant 1 : i32
        %sub3A_138 = arith.subi %mul3A_33, %sub3A : i32
        %add3A_139 = arith.constant 0 : i32
        %add3A_140 = arith.addi %mul3A_2, %add3A_139 : i32
        %dma_wait3A_141 = arith.constant 0 : i32
        %dma_wait3A_142 = tpu.memref_slice %arg4[%sub3A_138, %add3A_140, %dma_wait3A_141] : memref<26x4096x252xf32, #tpu.memory_space<hbm>> -> memref<1x64x252xf32, #tpu.memory_space<hbm>>
        %dma_wait3A_143 = tpu.memref_squeeze %dma_wait3A_142 : memref<1x64x252xf32, #tpu.memory_space<hbm>> -> memref<64x252xf32, #tpu.memory_space<hbm>>
        %dma_wait3A_144 = arith.constant 0 : i32
        %dma_wait3A_145 = tpu.memref_slice %arg4[%sub3A_138, %add3A_140, %dma_wait3A_144] : memref<26x4096x252xf32, #tpu.memory_space<hbm>> -> memref<1x64x252xf32, #tpu.memory_space<hbm>>
        %dma_wait3A_146 = tpu.memref_squeeze %dma_wait3A_145 : memref<1x64x252xf32, #tpu.memory_space<hbm>> -> memref<64x252xf32, #tpu.memory_space<hbm>>
        tpu.wait_dma2 semaphore(%arg12 : memref<!tpu.dma_semaphore, #tpu.memory_space<semaphore_mem>>) src(%arg8 : memref<64x252xf32, #tpu.memory_space<vmem>>) dst(%dma_wait3A_146 : memref<64x252xf32, #tpu.memory_space<hbm>>)
      } else {
      }
      %scan3A_51 = arith.constant 0 : i32
      %scan3A_52 = arith.constant 0 : i32
      %scan3A_53 = arith.constant 64 : i32
      %scan3A_54 = arith.addi %scan3A_52, %scan3A_53 : i32
      %scan3A_55 = arith.constant 1 : i32
      scf.for %scan3A_138 = %scan3A_52 to %scan3A_54 step %scan3A_55  : i32 {
        %add3A_139 = arith.constant 0 : i32
        %add3A_140 = arith.addi %add3A_139, %scan3A_138 : i32
        %get3A = arith.index_cast %add3A_140 : i32 to index
        %get3A_141 = arith.constant 0 : index
        %get3A_142 = tpu.vector_load %arg6[%get3A, %get3A_141] {strides = array<i32>} : memref<128x256xf32, #tpu.memory_space<vmem>>, vector<1x16xf32>,
        %get3A_143 = vector.shape_cast %get3A_142 : vector<1x16xf32> to vector<16xf32>
        %swap3A = arith.index_cast %scan3A_138 : i32 to index
        %swap3A_144 = arith.constant 0 : index
        %swap3A_145 = tpu.vector_load %arg8[%swap3A, %swap3A_144] {strides = array<i32>} : memref<64x252xf32, #tpu.memory_space<vmem>>, vector<1x16xf32>,
        %swap3A_146 = vector.shape_cast %swap3A_145 : vector<1x16xf32> to vector<16xf32>
        %swap3A_147 = vector.shape_cast %get3A_143 : vector<16xf32> to vector<1x16xf32>
        tpu.vector_store %arg8[%swap3A, %swap3A_144], %swap3A_147 {strides = array<i32>} : memref<64x252xf32, #tpu.memory_space<vmem>>, vector<1x16xf32>,
        %add3A_148 = arith.constant 0 : i32
        %add3A_149 = arith.addi %add3A_148, %scan3A_138 : i32
        %get3A_150 = arith.index_cast %add3A_149 : i32 to index
        %get3A_151 = arith.constant 16 : index
        %get3A_152 = tpu.vector_load %arg6[%get3A_150, %get3A_151] {strides = array<i32>} : memref<128x256xf32, #tpu.memory_space<vmem>>, vector<1x16xf32>,
        %get3A_153 = vector.shape_cast %get3A_152 : vector<1x16xf32> to vector<16xf32>
        %swap3A_154 = arith.index_cast %scan3A_138 : i32 to index
        %swap3A_155 = arith.constant 16 : index
        %swap3A_156 = tpu.vector_load %arg8[%swap3A_154, %swap3A_155] {strides = array<i32>} : memref<64x252xf32, #tpu.memory_space<vmem>>, vector<1x16xf32>,
        %swap3A_157 = vector.shape_cast %swap3A_156 : vector<1x16xf32> to vector<16xf32>
        %swap3A_158 = vector.shape_cast %get3A_153 : vector<16xf32> to vector<1x16xf32>
        tpu.vector_store %arg8[%swap3A_154, %swap3A_155], %swap3A_158 {strides = array<i32>} : memref<64x252xf32, #tpu.memory_space<vmem>>, vector<1x16xf32>,
        %add3A_159 = arith.constant 0 : i32
        %add3A_160 = arith.addi %add3A_159, %scan3A_138 : i32
        %get3A_161 = arith.index_cast %add3A_160 : i32 to index
        %get3A_162 = arith.constant 32 : index
        %get3A_163 = tpu.vector_load %arg6[%get3A_161, %get3A_162] {strides = array<i32>} : memref<128x256xf32, #tpu.memory_space<vmem>>, vector<1x16xf32>,
        %get3A_164 = vector.shape_cast %get3A_163 : vector<1x16xf32> to vector<16xf32>
        %swap3A_165 = arith.index_cast %scan3A_138 : i32 to index
        %swap3A_166 = arith.constant 32 : index
        %swap3A_167 = tpu.vector_load %arg8[%swap3A_165, %swap3A_166] {strides = array<i32>} : memref<64x252xf32, #tpu.memory_space<vmem>>, vector<1x16xf32>,
        %swap3A_168 = vector.shape_cast %swap3A_167 : vector<1x16xf32> to vector<16xf32>
        %swap3A_169 = vector.shape_cast %get3A_164 : vector<16xf32> to vector<1x16xf32>
        tpu.vector_store %arg8[%swap3A_165, %swap3A_166], %swap3A_169 {strides = array<i32>} : memref<64x252xf32, #tpu.memory_space<vmem>>, vector<1x16xf32>,
        %add3A_170 = arith.constant 0 : i32
        %add3A_171 = arith.addi %add3A_170, %scan3A_138 : i32
        %get3A_172 = arith.index_cast %add3A_171 : i32 to index
        %get3A_173 = arith.constant 48 : index
        %get3A_174 = tpu.vector_load %arg6[%get3A_172, %get3A_173] {strides = array<i32>} : memref<128x256xf32, #tpu.memory_space<vmem>>, vector<1x16xf32>,
        %get3A_175 = vector.shape_cast %get3A_174 : vector<1x16xf32> to vector<16xf32>
        %swap3A_176 = arith.index_cast %scan3A_138 : i32 to index
        %swap3A_177 = arith.constant 48 : index
        %swap3A_178 = tpu.vector_load %arg8[%swap3A_176, %swap3A_177] {strides = array<i32>} : memref<64x252xf32, #tpu.memory_space<vmem>>, vector<1x16xf32>,
        %swap3A_179 = vector.shape_cast %swap3A_178 : vector<1x16xf32> to vector<16xf32>
        %swap3A_180 = vector.shape_cast %get3A_175 : vector<16xf32> to vector<1x16xf32>
        tpu.vector_store %arg8[%swap3A_176, %swap3A_177], %swap3A_180 {strides = array<i32>} : memref<64x252xf32, #tpu.memory_space<vmem>>, vector<1x16xf32>,
        %add3A_181 = arith.constant 0 : i32
        %add3A_182 = arith.addi %add3A_181, %scan3A_138 : i32
        %get3A_183 = arith.index_cast %add3A_182 : i32 to index
        %get3A_184 = arith.constant 64 : index
        %get3A_185 = tpu.vector_load %arg6[%get3A_183, %get3A_184] {strides = array<i32>} : memref<128x256xf32, #tpu.memory_space<vmem>>, vector<1x16xf32>,
        %get3A_186 = vector.shape_cast %get3A_185 : vector<1x16xf32> to vector<16xf32>
        %swap3A_187 = arith.index_cast %scan3A_138 : i32 to index
        %swap3A_188 = arith.constant 64 : index
        %swap3A_189 = tpu.vector_load %arg8[%swap3A_187, %swap3A_188] {strides = array<i32>} : memref<64x252xf32, #tpu.memory_space<vmem>>, vector<1x16xf32>,
        %swap3A_190 = vector.shape_cast %swap3A_189 : vector<1x16xf32> to vector<16xf32>
        %swap3A_191 = vector.shape_cast %get3A_186 : vector<16xf32> to vector<1x16xf32>
        tpu.vector_store %arg8[%swap3A_187, %swap3A_188], %swap3A_191 {strides = array<i32>} : memref<64x252xf32, #tpu.memory_space<vmem>>, vector<1x16xf32>,
        %add3A_192 = arith.constant 0 : i32
        %add3A_193 = arith.addi %add3A_192, %scan3A_138 : i32
        %get3A_194 = arith.index_cast %add3A_193 : i32 to index
        %get3A_195 = arith.constant 80 : index
        %get3A_196 = tpu.vector_load %arg6[%get3A_194, %get3A_195] {strides = array<i32>} : memref<128x256xf32, #tpu.memory_space<vmem>>, vector<1x16xf32>,
        %get3A_197 = vector.shape_cast %get3A_196 : vector<1x16xf32> to vector<16xf32>
        %swap3A_198 = arith.index_cast %scan3A_138 : i32 to index
        %swap3A_199 = arith.constant 80 : index
        %swap3A_200 = tpu.vector_load %arg8[%swap3A_198, %swap3A_199] {strides = array<i32>} : memref<64x252xf32, #tpu.memory_space<vmem>>, vector<1x16xf32>,
        %swap3A_201 = vector.shape_cast %swap3A_200 : vector<1x16xf32> to vector<16xf32>
        %swap3A_202 = vector.shape_cast %get3A_197 : vector<16xf32> to vector<1x16xf32>
        tpu.vector_store %arg8[%swap3A_198, %swap3A_199], %swap3A_202 {strides = array<i32>} : memref<64x252xf32, #tpu.memory_space<vmem>>, vector<1x16xf32>,
        %add3A_203 = arith.constant 0 : i32
        %add3A_204 = arith.addi %add3A_203, %scan3A_138 : i32
        %get3A_205 = arith.index_cast %add3A_204 : i32 to index
        %get3A_206 = arith.constant 96 : index
        %get3A_207 = tpu.vector_load %arg6[%get3A_205, %get3A_206] {strides = array<i32>} : memref<128x256xf32, #tpu.memory_space<vmem>>, vector<1x16xf32>,
        %get3A_208 = vector.shape_cast %get3A_207 : vector<1x16xf32> to vector<16xf32>
        %swap3A_209 = arith.index_cast %scan3A_138 : i32 to index
        %swap3A_210 = arith.constant 96 : index
        %swap3A_211 = tpu.vector_load %arg8[%swap3A_209, %swap3A_210] {strides = array<i32>} : memref<64x252xf32, #tpu.memory_space<vmem>>, vector<1x16xf32>,
        %swap3A_212 = vector.shape_cast %swap3A_211 : vector<1x16xf32> to vector<16xf32>
        %swap3A_213 = vector.shape_cast %get3A_208 : vector<16xf32> to vector<1x16xf32>
        tpu.vector_store %arg8[%swap3A_209, %swap3A_210], %swap3A_213 {strides = array<i32>} : memref<64x252xf32, #tpu.memory_space<vmem>>, vector<1x16xf32>,
        %add3A_214 = arith.constant 0 : i32
        %add3A_215 = arith.addi %add3A_214, %scan3A_138 : i32
        %get3A_216 = arith.index_cast %add3A_215 : i32 to index
        %get3A_217 = arith.constant 112 : index
        %get3A_218 = tpu.vector_load %arg6[%get3A_216, %get3A_217] {strides = array<i32>} : memref<128x256xf32, #tpu.memory_space<vmem>>, vector<1x16xf32>,
        %get3A_219 = vector.shape_cast %get3A_218 : vector<1x16xf32> to vector<16xf32>
        %swap3A_220 = arith.index_cast %scan3A_138 : i32 to index
        %swap3A_221 = arith.constant 112 : index
        %swap3A_222 = tpu.vector_load %arg8[%swap3A_220, %swap3A_221] {strides = array<i32>} : memref<64x252xf32, #tpu.memory_space<vmem>>, vector<1x16xf32>,
        %swap3A_223 = vector.shape_cast %swap3A_222 : vector<1x16xf32> to vector<16xf32>
        %swap3A_224 = vector.shape_cast %get3A_219 : vector<16xf32> to vector<1x16xf32>
        tpu.vector_store %arg8[%swap3A_220, %swap3A_221], %swap3A_224 {strides = array<i32>} : memref<64x252xf32, #tpu.memory_space<vmem>>, vector<1x16xf32>,
        %add3A_225 = arith.constant 0 : i32
        %add3A_226 = arith.addi %add3A_225, %scan3A_138 : i32
        %get3A_227 = arith.index_cast %add3A_226 : i32 to index
        %get3A_228 = arith.constant 128 : index
        %get3A_229 = tpu.vector_load %arg6[%get3A_227, %get3A_228] {strides = array<i32>} : memref<128x256xf32, #tpu.memory_space<vmem>>, vector<1x16xf32>,
        %get3A_230 = vector.shape_cast %get3A_229 : vector<1x16xf32> to vector<16xf32>
        %swap3A_231 = arith.index_cast %scan3A_138 : i32 to index
        %swap3A_232 = arith.constant 128 : index
        %swap3A_233 = tpu.vector_load %arg8[%swap3A_231, %swap3A_232] {strides = array<i32>} : memref<64x252xf32, #tpu.memory_space<vmem>>, vector<1x16xf32>,
        %swap3A_234 = vector.shape_cast %swap3A_233 : vector<1x16xf32> to vector<16xf32>
        %swap3A_235 = vector.shape_cast %get3A_230 : vector<16xf32> to vector<1x16xf32>
        tpu.vector_store %arg8[%swap3A_231, %swap3A_232], %swap3A_235 {strides = array<i32>} : memref<64x252xf32, #tpu.memory_space<vmem>>, vector<1x16xf32>,
        %add3A_236 = arith.constant 0 : i32
        %add3A_237 = arith.addi %add3A_236, %scan3A_138 : i32
        %get3A_238 = arith.index_cast %add3A_237 : i32 to index
        %get3A_239 = arith.constant 144 : index
        %get3A_240 = tpu.vector_load %arg6[%get3A_238, %get3A_239] {strides = array<i32>} : memref<128x256xf32, #tpu.memory_space<vmem>>, vector<1x16xf32>,
        %get3A_241 = vector.shape_cast %get3A_240 : vector<1x16xf32> to vector<16xf32>
        %swap3A_242 = arith.index_cast %scan3A_138 : i32 to index
        %swap3A_243 = arith.constant 144 : index
        %swap3A_244 = tpu.vector_load %arg8[%swap3A_242, %swap3A_243] {strides = array<i32>} : memref<64x252xf32, #tpu.memory_space<vmem>>, vector<1x16xf32>,
        %swap3A_245 = vector.shape_cast %swap3A_244 : vector<1x16xf32> to vector<16xf32>
        %swap3A_246 = vector.shape_cast %get3A_241 : vector<16xf32> to vector<1x16xf32>
        tpu.vector_store %arg8[%swap3A_242, %swap3A_243], %swap3A_246 {strides = array<i32>} : memref<64x252xf32, #tpu.memory_space<vmem>>, vector<1x16xf32>,
        %add3A_247 = arith.constant 0 : i32
        %add3A_248 = arith.addi %add3A_247, %scan3A_138 : i32
        %get3A_249 = arith.index_cast %add3A_248 : i32 to index
        %get3A_250 = arith.constant 160 : index
        %get3A_251 = tpu.vector_load %arg6[%get3A_249, %get3A_250] {strides = array<i32>} : memref<128x256xf32, #tpu.memory_space<vmem>>, vector<1x16xf32>,
        %get3A_252 = vector.shape_cast %get3A_251 : vector<1x16xf32> to vector<16xf32>
        %swap3A_253 = arith.index_cast %scan3A_138 : i32 to index
        %swap3A_254 = arith.constant 160 : index
        %swap3A_255 = tpu.vector_load %arg8[%swap3A_253, %swap3A_254] {strides = array<i32>} : memref<64x252xf32, #tpu.memory_space<vmem>>, vector<1x16xf32>,
        %swap3A_256 = vector.shape_cast %swap3A_255 : vector<1x16xf32> to vector<16xf32>
        %swap3A_257 = vector.shape_cast %get3A_252 : vector<16xf32> to vector<1x16xf32>
        tpu.vector_store %arg8[%swap3A_253, %swap3A_254], %swap3A_257 {strides = array<i32>} : memref<64x252xf32, #tpu.memory_space<vmem>>, vector<1x16xf32>,
        %add3A_258 = arith.constant 0 : i32
        %add3A_259 = arith.addi %add3A_258, %scan3A_138 : i32
        %get3A_260 = arith.index_cast %add3A_259 : i32 to index
        %get3A_261 = arith.constant 176 : index
        %get3A_262 = tpu.vector_load %arg6[%get3A_260, %get3A_261] {strides = array<i32>} : memref<128x256xf32, #tpu.memory_space<vmem>>, vector<1x16xf32>,
        %get3A_263 = vector.shape_cast %get3A_262 : vector<1x16xf32> to vector<16xf32>
        %swap3A_264 = arith.index_cast %scan3A_138 : i32 to index
        %swap3A_265 = arith.constant 176 : index
        %swap3A_266 = tpu.vector_load %arg8[%swap3A_264, %swap3A_265] {strides = array<i32>} : memref<64x252xf32, #tpu.memory_space<vmem>>, vector<1x16xf32>,
        %swap3A_267 = vector.shape_cast %swap3A_266 : vector<1x16xf32> to vector<16xf32>
        %swap3A_268 = vector.shape_cast %get3A_263 : vector<16xf32> to vector<1x16xf32>
        tpu.vector_store %arg8[%swap3A_264, %swap3A_265], %swap3A_268 {strides = array<i32>} : memref<64x252xf32, #tpu.memory_space<vmem>>, vector<1x16xf32>,
        %add3A_269 = arith.constant 0 : i32
        %add3A_270 = arith.addi %add3A_269, %scan3A_138 : i32
        %get3A_271 = arith.index_cast %add3A_270 : i32 to index
        %get3A_272 = arith.constant 192 : index
        %get3A_273 = tpu.vector_load %arg6[%get3A_271, %get3A_272] {strides = array<i32>} : memref<128x256xf32, #tpu.memory_space<vmem>>, vector<1x16xf32>,
        %get3A_274 = vector.shape_cast %get3A_273 : vector<1x16xf32> to vector<16xf32>
        %swap3A_275 = arith.index_cast %scan3A_138 : i32 to index
        %swap3A_276 = arith.constant 192 : index
        %swap3A_277 = tpu.vector_load %arg8[%swap3A_275, %swap3A_276] {strides = array<i32>} : memref<64x252xf32, #tpu.memory_space<vmem>>, vector<1x16xf32>,
        %swap3A_278 = vector.shape_cast %swap3A_277 : vector<1x16xf32> to vector<16xf32>
        %swap3A_279 = vector.shape_cast %get3A_274 : vector<16xf32> to vector<1x16xf32>
        tpu.vector_store %arg8[%swap3A_275, %swap3A_276], %swap3A_279 {strides = array<i32>} : memref<64x252xf32, #tpu.memory_space<vmem>>, vector<1x16xf32>,
        %add3A_280 = arith.constant 0 : i32
        %add3A_281 = arith.addi %add3A_280, %scan3A_138 : i32
        %get3A_282 = arith.index_cast %add3A_281 : i32 to index
        %get3A_283 = arith.constant 208 : index
        %get3A_284 = tpu.vector_load %arg6[%get3A_282, %get3A_283] {strides = array<i32>} : memref<128x256xf32, #tpu.memory_space<vmem>>, vector<1x16xf32>,
        %get3A_285 = vector.shape_cast %get3A_284 : vector<1x16xf32> to vector<16xf32>
        %swap3A_286 = arith.index_cast %scan3A_138 : i32 to index
        %swap3A_287 = arith.constant 208 : index
        %swap3A_288 = tpu.vector_load %arg8[%swap3A_286, %swap3A_287] {strides = array<i32>} : memref<64x252xf32, #tpu.memory_space<vmem>>, vector<1x16xf32>,
        %swap3A_289 = vector.shape_cast %swap3A_288 : vector<1x16xf32> to vector<16xf32>
        %swap3A_290 = vector.shape_cast %get3A_285 : vector<16xf32> to vector<1x16xf32>
        tpu.vector_store %arg8[%swap3A_286, %swap3A_287], %swap3A_290 {strides = array<i32>} : memref<64x252xf32, #tpu.memory_space<vmem>>, vector<1x16xf32>,
        %add3A_291 = arith.constant 0 : i32
        %add3A_292 = arith.addi %add3A_291, %scan3A_138 : i32
        %get3A_293 = arith.index_cast %add3A_292 : i32 to index
        %get3A_294 = arith.constant 224 : index
        %get3A_295 = tpu.vector_load %arg6[%get3A_293, %get3A_294] {strides = array<i32>} : memref<128x256xf32, #tpu.memory_space<vmem>>, vector<1x16xf32>,
        %get3A_296 = vector.shape_cast %get3A_295 : vector<1x16xf32> to vector<16xf32>
        %swap3A_297 = arith.index_cast %scan3A_138 : i32 to index
        %swap3A_298 = arith.constant 224 : index
        %swap3A_299 = tpu.vector_load %arg8[%swap3A_297, %swap3A_298] {strides = array<i32>} : memref<64x252xf32, #tpu.memory_space<vmem>>, vector<1x16xf32>,
        %swap3A_300 = vector.shape_cast %swap3A_299 : vector<1x16xf32> to vector<16xf32>
        %swap3A_301 = vector.shape_cast %get3A_296 : vector<16xf32> to vector<1x16xf32>
        tpu.vector_store %arg8[%swap3A_297, %swap3A_298], %swap3A_301 {strides = array<i32>} : memref<64x252xf32, #tpu.memory_space<vmem>>, vector<1x16xf32>,
        %add3A_302 = arith.constant 0 : i32
        %add3A_303 = arith.addi %add3A_302, %scan3A_138 : i32
        %get3A_304 = arith.index_cast %add3A_303 : i32 to index
        %get3A_305 = arith.constant 236 : index
        %get3A_306 = tpu.vector_load %arg6[%get3A_304, %get3A_305] {strides = array<i32>} : memref<128x256xf32, #tpu.memory_space<vmem>>, vector<1x16xf32>,
        %get3A_307 = vector.shape_cast %get3A_306 : vector<1x16xf32> to vector<16xf32>
        %swap3A_308 = arith.index_cast %scan3A_138 : i32 to index
        %swap3A_309 = arith.constant 236 : index
        %swap3A_310 = tpu.vector_load %arg8[%swap3A_308, %swap3A_309] {strides = array<i32>} : memref<64x252xf32, #tpu.memory_space<vmem>>, vector<1x16xf32>,
        %swap3A_311 = vector.shape_cast %swap3A_310 : vector<1x16xf32> to vector<16xf32>
        %swap3A_312 = vector.shape_cast %get3A_307 : vector<16xf32> to vector<1x16xf32>
        tpu.vector_store %arg8[%swap3A_308, %swap3A_309], %swap3A_312 {strides = array<i32>} : memref<64x252xf32, #tpu.memory_space<vmem>>, vector<1x16xf32>,
      }
      %scan3A_56 = arith.constant 64 : i32
      %add3A_57 = arith.constant 0 : i32
      %add3A_58 = arith.addi %mul3A_2, %add3A_57 : i32
      %dma_start3A_59 = arith.constant 0 : i32
      %dma_start3A_60 = tpu.memref_slice %arg4[%mul3A_33, %add3A_58, %dma_start3A_59] : memref<26x4096x252xf32, #tpu.memory_space<hbm>> -> memref<1x64x252xf32, #tpu.memory_space<hbm>>
      %dma_start3A_61 = tpu.memref_squeeze %dma_start3A_60 : memref<1x64x252xf32, #tpu.memory_space<hbm>> -> memref<64x252xf32, #tpu.memory_space<hbm>>
      %dma_start3A_62 = arith.constant 0 : i32
      %dma_start3A_63 = tpu.memref_slice %arg4[%mul3A_33, %add3A_58, %dma_start3A_62] : memref<26x4096x252xf32, #tpu.memory_space<hbm>> -> memref<1x64x252xf32, #tpu.memory_space<hbm>>
      %dma_start3A_64 = tpu.memref_squeeze %dma_start3A_63 : memref<1x64x252xf32, #tpu.memory_space<hbm>> -> memref<64x252xf32, #tpu.memory_space<hbm>>
      tpu.enqueue_dma source(%arg8 : memref<64x252xf32, #tpu.memory_space<vmem>>) target(%dma_start3A_64 : memref<64x252xf32, #tpu.memory_space<hbm>>) target_semaphore(%arg12 : memref<!tpu.dma_semaphore, #tpu.memory_space<semaphore_mem>>)
      %not3A_65 = arith.constant true
      %not3A_66 = arith.xori %eq3A_48, %not3A_65 : i1
      %convert_element_type3A_67 = arith.extui %not3A_66 : i1 to i32
      %cond3A_68 = arith.constant 0 : i32
      %cond3A_69 = arith.cmpi ne, %convert_element_type3A_67, %cond3A_68 : i32
      scf.if %cond3A_69 {
        %sub3A = arith.constant 1 : i32
        %sub3A_138 = arith.subi %mul3A_33, %sub3A : i32
        %add3A_139 = arith.constant 64 : i32
        %add3A_140 = arith.addi %mul3A_2, %add3A_139 : i32
        %dma_wait3A_141 = arith.constant 0 : i32
        %dma_wait3A_142 = tpu.memref_slice %arg4[%sub3A_138, %add3A_140, %dma_wait3A_141] : memref<26x4096x252xf32, #tpu.memory_space<hbm>> -> memref<1x64x252xf32, #tpu.memory_space<hbm>>
        %dma_wait3A_143 = tpu.memref_squeeze %dma_wait3A_142 : memref<1x64x252xf32, #tpu.memory_space<hbm>> -> memref<64x252xf32, #tpu.memory_space<hbm>>
        %dma_wait3A_144 = arith.constant 0 : i32
        %dma_wait3A_145 = tpu.memref_slice %arg4[%sub3A_138, %add3A_140, %dma_wait3A_144] : memref<26x4096x252xf32, #tpu.memory_space<hbm>> -> memref<1x64x252xf32, #tpu.memory_space<hbm>>
        %dma_wait3A_146 = tpu.memref_squeeze %dma_wait3A_145 : memref<1x64x252xf32, #tpu.memory_space<hbm>> -> memref<64x252xf32, #tpu.memory_space<hbm>>
        tpu.wait_dma2 semaphore(%arg13 : memref<!tpu.dma_semaphore, #tpu.memory_space<semaphore_mem>>) src(%arg9 : memref<64x252xf32, #tpu.memory_space<vmem>>) dst(%dma_wait3A_146 : memref<64x252xf32, #tpu.memory_space<hbm>>)
      } else {
      }
      %scan3A_70 = arith.constant 0 : i32
      %scan3A_71 = arith.constant 0 : i32
      %scan3A_72 = arith.constant 64 : i32
      %scan3A_73 = arith.addi %scan3A_71, %scan3A_72 : i32
      %scan3A_74 = arith.constant 1 : i32
      scf.for %scan3A_138 = %scan3A_71 to %scan3A_73 step %scan3A_74  : i32 {
        %add3A_139 = arith.constant 64 : i32
        %add3A_140 = arith.addi %add3A_139, %scan3A_138 : i32
        %get3A = arith.index_cast %add3A_140 : i32 to index
        %get3A_141 = arith.constant 0 : index
        %get3A_142 = tpu.vector_load %arg6[%get3A, %get3A_141] {strides = array<i32>} : memref<128x256xf32, #tpu.memory_space<vmem>>, vector<1x16xf32>,
        %get3A_143 = vector.shape_cast %get3A_142 : vector<1x16xf32> to vector<16xf32>
        %swap3A = arith.index_cast %scan3A_138 : i32 to index
        %swap3A_144 = arith.constant 0 : index
        %swap3A_145 = tpu.vector_load %arg9[%swap3A, %swap3A_144] {strides = array<i32>} : memref<64x252xf32, #tpu.memory_space<vmem>>, vector<1x16xf32>,
        %swap3A_146 = vector.shape_cast %swap3A_145 : vector<1x16xf32> to vector<16xf32>
        %swap3A_147 = vector.shape_cast %get3A_143 : vector<16xf32> to vector<1x16xf32>
        tpu.vector_store %arg9[%swap3A, %swap3A_144], %swap3A_147 {strides = array<i32>} : memref<64x252xf32, #tpu.memory_space<vmem>>, vector<1x16xf32>,
        %add3A_148 = arith.constant 64 : i32
        %add3A_149 = arith.addi %add3A_148, %scan3A_138 : i32
        %get3A_150 = arith.index_cast %add3A_149 : i32 to index
        %get3A_151 = arith.constant 16 : index
        %get3A_152 = tpu.vector_load %arg6[%get3A_150, %get3A_151] {strides = array<i32>} : memref<128x256xf32, #tpu.memory_space<vmem>>, vector<1x16xf32>,
        %get3A_153 = vector.shape_cast %get3A_152 : vector<1x16xf32> to vector<16xf32>
        %swap3A_154 = arith.index_cast %scan3A_138 : i32 to index
        %swap3A_155 = arith.constant 16 : index
        %swap3A_156 = tpu.vector_load %arg9[%swap3A_154, %swap3A_155] {strides = array<i32>} : memref<64x252xf32, #tpu.memory_space<vmem>>, vector<1x16xf32>,
        %swap3A_157 = vector.shape_cast %swap3A_156 : vector<1x16xf32> to vector<16xf32>
        %swap3A_158 = vector.shape_cast %get3A_153 : vector<16xf32> to vector<1x16xf32>
        tpu.vector_store %arg9[%swap3A_154, %swap3A_155], %swap3A_158 {strides = array<i32>} : memref<64x252xf32, #tpu.memory_space<vmem>>, vector<1x16xf32>,
        %add3A_159 = arith.constant 64 : i32
        %add3A_160 = arith.addi %add3A_159, %scan3A_138 : i32
        %get3A_161 = arith.index_cast %add3A_160 : i32 to index
        %get3A_162 = arith.constant 32 : index
        %get3A_163 = tpu.vector_load %arg6[%get3A_161, %get3A_162] {strides = array<i32>} : memref<128x256xf32, #tpu.memory_space<vmem>>, vector<1x16xf32>,
        %get3A_164 = vector.shape_cast %get3A_163 : vector<1x16xf32> to vector<16xf32>
        %swap3A_165 = arith.index_cast %scan3A_138 : i32 to index
        %swap3A_166 = arith.constant 32 : index
        %swap3A_167 = tpu.vector_load %arg9[%swap3A_165, %swap3A_166] {strides = array<i32>} : memref<64x252xf32, #tpu.memory_space<vmem>>, vector<1x16xf32>,
        %swap3A_168 = vector.shape_cast %swap3A_167 : vector<1x16xf32> to vector<16xf32>
        %swap3A_169 = vector.shape_cast %get3A_164 : vector<16xf32> to vector<1x16xf32>
        tpu.vector_store %arg9[%swap3A_165, %swap3A_166], %swap3A_169 {strides = array<i32>} : memref<64x252xf32, #tpu.memory_space<vmem>>, vector<1x16xf32>,
        %add3A_170 = arith.constant 64 : i32
        %add3A_171 = arith.addi %add3A_170, %scan3A_138 : i32
        %get3A_172 = arith.index_cast %add3A_171 : i32 to index
        %get3A_173 = arith.constant 48 : index
        %get3A_174 = tpu.vector_load %arg6[%get3A_172, %get3A_173] {strides = array<i32>} : memref<128x256xf32, #tpu.memory_space<vmem>>, vector<1x16xf32>,
        %get3A_175 = vector.shape_cast %get3A_174 : vector<1x16xf32> to vector<16xf32>
        %swap3A_176 = arith.index_cast %scan3A_138 : i32 to index
        %swap3A_177 = arith.constant 48 : index
        %swap3A_178 = tpu.vector_load %arg9[%swap3A_176, %swap3A_177] {strides = array<i32>} : memref<64x252xf32, #tpu.memory_space<vmem>>, vector<1x16xf32>,
        %swap3A_179 = vector.shape_cast %swap3A_178 : vector<1x16xf32> to vector<16xf32>
        %swap3A_180 = vector.shape_cast %get3A_175 : vector<16xf32> to vector<1x16xf32>
        tpu.vector_store %arg9[%swap3A_176, %swap3A_177], %swap3A_180 {strides = array<i32>} : memref<64x252xf32, #tpu.memory_space<vmem>>, vector<1x16xf32>,
        %add3A_181 = arith.constant 64 : i32
        %add3A_182 = arith.addi %add3A_181, %scan3A_138 : i32
        %get3A_183 = arith.index_cast %add3A_182 : i32 to index
        %get3A_184 = arith.constant 64 : index
        %get3A_185 = tpu.vector_load %arg6[%get3A_183, %get3A_184] {strides = array<i32>} : memref<128x256xf32, #tpu.memory_space<vmem>>, vector<1x16xf32>,
        %get3A_186 = vector.shape_cast %get3A_185 : vector<1x16xf32> to vector<16xf32>
        %swap3A_187 = arith.index_cast %scan3A_138 : i32 to index
        %swap3A_188 = arith.constant 64 : index
        %swap3A_189 = tpu.vector_load %arg9[%swap3A_187, %swap3A_188] {strides = array<i32>} : memref<64x252xf32, #tpu.memory_space<vmem>>, vector<1x16xf32>,
        %swap3A_190 = vector.shape_cast %swap3A_189 : vector<1x16xf32> to vector<16xf32>
        %swap3A_191 = vector.shape_cast %get3A_186 : vector<16xf32> to vector<1x16xf32>
        tpu.vector_store %arg9[%swap3A_187, %swap3A_188], %swap3A_191 {strides = array<i32>} : memref<64x252xf32, #tpu.memory_space<vmem>>, vector<1x16xf32>,
        %add3A_192 = arith.constant 64 : i32
        %add3A_193 = arith.addi %add3A_192, %scan3A_138 : i32
        %get3A_194 = arith.index_cast %add3A_193 : i32 to index
        %get3A_195 = arith.constant 80 : index
        %get3A_196 = tpu.vector_load %arg6[%get3A_194, %get3A_195] {strides = array<i32>} : memref<128x256xf32, #tpu.memory_space<vmem>>, vector<1x16xf32>,
        %get3A_197 = vector.shape_cast %get3A_196 : vector<1x16xf32> to vector<16xf32>
        %swap3A_198 = arith.index_cast %scan3A_138 : i32 to index
        %swap3A_199 = arith.constant 80 : index
        %swap3A_200 = tpu.vector_load %arg9[%swap3A_198, %swap3A_199] {strides = array<i32>} : memref<64x252xf32, #tpu.memory_space<vmem>>, vector<1x16xf32>,
        %swap3A_201 = vector.shape_cast %swap3A_200 : vector<1x16xf32> to vector<16xf32>
        %swap3A_202 = vector.shape_cast %get3A_197 : vector<16xf32> to vector<1x16xf32>
        tpu.vector_store %arg9[%swap3A_198, %swap3A_199], %swap3A_202 {strides = array<i32>} : memref<64x252xf32, #tpu.memory_space<vmem>>, vector<1x16xf32>,
        %add3A_203 = arith.constant 64 : i32
        %add3A_204 = arith.addi %add3A_203, %scan3A_138 : i32
        %get3A_205 = arith.index_cast %add3A_204 : i32 to index
        %get3A_206 = arith.constant 96 : index
        %get3A_207 = tpu.vector_load %arg6[%get3A_205, %get3A_206] {strides = array<i32>} : memref<128x256xf32, #tpu.memory_space<vmem>>, vector<1x16xf32>,
        %get3A_208 = vector.shape_cast %get3A_207 : vector<1x16xf32> to vector<16xf32>
        %swap3A_209 = arith.index_cast %scan3A_138 : i32 to index
        %swap3A_210 = arith.constant 96 : index
        %swap3A_211 = tpu.vector_load %arg9[%swap3A_209, %swap3A_210] {strides = array<i32>} : memref<64x252xf32, #tpu.memory_space<vmem>>, vector<1x16xf32>,
        %swap3A_212 = vector.shape_cast %swap3A_211 : vector<1x16xf32> to vector<16xf32>
        %swap3A_213 = vector.shape_cast %get3A_208 : vector<16xf32> to vector<1x16xf32>
        tpu.vector_store %arg9[%swap3A_209, %swap3A_210], %swap3A_213 {strides = array<i32>} : memref<64x252xf32, #tpu.memory_space<vmem>>, vector<1x16xf32>,
        %add3A_214 = arith.constant 64 : i32
        %add3A_215 = arith.addi %add3A_214, %scan3A_138 : i32
        %get3A_216 = arith.index_cast %add3A_215 : i32 to index
        %get3A_217 = arith.constant 112 : index
        %get3A_218 = tpu.vector_load %arg6[%get3A_216, %get3A_217] {strides = array<i32>} : memref<128x256xf32, #tpu.memory_space<vmem>>, vector<1x16xf32>,
        %get3A_219 = vector.shape_cast %get3A_218 : vector<1x16xf32> to vector<16xf32>
        %swap3A_220 = arith.index_cast %scan3A_138 : i32 to index
        %swap3A_221 = arith.constant 112 : index
        %swap3A_222 = tpu.vector_load %arg9[%swap3A_220, %swap3A_221] {strides = array<i32>} : memref<64x252xf32, #tpu.memory_space<vmem>>, vector<1x16xf32>,
        %swap3A_223 = vector.shape_cast %swap3A_222 : vector<1x16xf32> to vector<16xf32>
        %swap3A_224 = vector.shape_cast %get3A_219 : vector<16xf32> to vector<1x16xf32>
        tpu.vector_store %arg9[%swap3A_220, %swap3A_221], %swap3A_224 {strides = array<i32>} : memref<64x252xf32, #tpu.memory_space<vmem>>, vector<1x16xf32>,
        %add3A_225 = arith.constant 64 : i32
        %add3A_226 = arith.addi %add3A_225, %scan3A_138 : i32
        %get3A_227 = arith.index_cast %add3A_226 : i32 to index
        %get3A_228 = arith.constant 128 : index
        %get3A_229 = tpu.vector_load %arg6[%get3A_227, %get3A_228] {strides = array<i32>} : memref<128x256xf32, #tpu.memory_space<vmem>>, vector<1x16xf32>,
        %get3A_230 = vector.shape_cast %get3A_229 : vector<1x16xf32> to vector<16xf32>
        %swap3A_231 = arith.index_cast %scan3A_138 : i32 to index
        %swap3A_232 = arith.constant 128 : index
        %swap3A_233 = tpu.vector_load %arg9[%swap3A_231, %swap3A_232] {strides = array<i32>} : memref<64x252xf32, #tpu.memory_space<vmem>>, vector<1x16xf32>,
        %swap3A_234 = vector.shape_cast %swap3A_233 : vector<1x16xf32> to vector<16xf32>
        %swap3A_235 = vector.shape_cast %get3A_230 : vector<16xf32> to vector<1x16xf32>
        tpu.vector_store %arg9[%swap3A_231, %swap3A_232], %swap3A_235 {strides = array<i32>} : memref<64x252xf32, #tpu.memory_space<vmem>>, vector<1x16xf32>,
        %add3A_236 = arith.constant 64 : i32
        %add3A_237 = arith.addi %add3A_236, %scan3A_138 : i32
        %get3A_238 = arith.index_cast %add3A_237 : i32 to index
        %get3A_239 = arith.constant 144 : index
        %get3A_240 = tpu.vector_load %arg6[%get3A_238, %get3A_239] {strides = array<i32>} : memref<128x256xf32, #tpu.memory_space<vmem>>, vector<1x16xf32>,
        %get3A_241 = vector.shape_cast %get3A_240 : vector<1x16xf32> to vector<16xf32>
        %swap3A_242 = arith.index_cast %scan3A_138 : i32 to index
        %swap3A_243 = arith.constant 144 : index
        %swap3A_244 = tpu.vector_load %arg9[%swap3A_242, %swap3A_243] {strides = array<i32>} : memref<64x252xf32, #tpu.memory_space<vmem>>, vector<1x16xf32>,
        %swap3A_245 = vector.shape_cast %swap3A_244 : vector<1x16xf32> to vector<16xf32>
        %swap3A_246 = vector.shape_cast %get3A_241 : vector<16xf32> to vector<1x16xf32>
        tpu.vector_store %arg9[%swap3A_242, %swap3A_243], %swap3A_246 {strides = array<i32>} : memref<64x252xf32, #tpu.memory_space<vmem>>, vector<1x16xf32>,
        %add3A_247 = arith.constant 64 : i32
        %add3A_248 = arith.addi %add3A_247, %scan3A_138 : i32
        %get3A_249 = arith.index_cast %add3A_248 : i32 to index
        %get3A_250 = arith.constant 160 : index
        %get3A_251 = tpu.vector_load %arg6[%get3A_249, %get3A_250] {strides = array<i32>} : memref<128x256xf32, #tpu.memory_space<vmem>>, vector<1x16xf32>,
        %get3A_252 = vector.shape_cast %get3A_251 : vector<1x16xf32> to vector<16xf32>
        %swap3A_253 = arith.index_cast %scan3A_138 : i32 to index
        %swap3A_254 = arith.constant 160 : index
        %swap3A_255 = tpu.vector_load %arg9[%swap3A_253, %swap3A_254] {strides = array<i32>} : memref<64x252xf32, #tpu.memory_space<vmem>>, vector<1x16xf32>,
        %swap3A_256 = vector.shape_cast %swap3A_255 : vector<1x16xf32> to vector<16xf32>
        %swap3A_257 = vector.shape_cast %get3A_252 : vector<16xf32> to vector<1x16xf32>
        tpu.vector_store %arg9[%swap3A_253, %swap3A_254], %swap3A_257 {strides = array<i32>} : memref<64x252xf32, #tpu.memory_space<vmem>>, vector<1x16xf32>,
        %add3A_258 = arith.constant 64 : i32
        %add3A_259 = arith.addi %add3A_258, %scan3A_138 : i32
        %get3A_260 = arith.index_cast %add3A_259 : i32 to index
        %get3A_261 = arith.constant 176 : index
        %get3A_262 = tpu.vector_load %arg6[%get3A_260, %get3A_261] {strides = array<i32>} : memref<128x256xf32, #tpu.memory_space<vmem>>, vector<1x16xf32>,
        %get3A_263 = vector.shape_cast %get3A_262 : vector<1x16xf32> to vector<16xf32>
        %swap3A_264 = arith.index_cast %scan3A_138 : i32 to index
        %swap3A_265 = arith.constant 176 : index
        %swap3A_266 = tpu.vector_load %arg9[%swap3A_264, %swap3A_265] {strides = array<i32>} : memref<64x252xf32, #tpu.memory_space<vmem>>, vector<1x16xf32>,
        %swap3A_267 = vector.shape_cast %swap3A_266 : vector<1x16xf32> to vector<16xf32>
        %swap3A_268 = vector.shape_cast %get3A_263 : vector<16xf32> to vector<1x16xf32>
        tpu.vector_store %arg9[%swap3A_264, %swap3A_265], %swap3A_268 {strides = array<i32>} : memref<64x252xf32, #tpu.memory_space<vmem>>, vector<1x16xf32>,
        %add3A_269 = arith.constant 64 : i32
        %add3A_270 = arith.addi %add3A_269, %scan3A_138 : i32
        %get3A_271 = arith.index_cast %add3A_270 : i32 to index
        %get3A_272 = arith.constant 192 : index
        %get3A_273 = tpu.vector_load %arg6[%get3A_271, %get3A_272] {strides = array<i32>} : memref<128x256xf32, #tpu.memory_space<vmem>>, vector<1x16xf32>,
        %get3A_274 = vector.shape_cast %get3A_273 : vector<1x16xf32> to vector<16xf32>
        %swap3A_275 = arith.index_cast %scan3A_138 : i32 to index
        %swap3A_276 = arith.constant 192 : index
        %swap3A_277 = tpu.vector_load %arg9[%swap3A_275, %swap3A_276] {strides = array<i32>} : memref<64x252xf32, #tpu.memory_space<vmem>>, vector<1x16xf32>,
        %swap3A_278 = vector.shape_cast %swap3A_277 : vector<1x16xf32> to vector<16xf32>
        %swap3A_279 = vector.shape_cast %get3A_274 : vector<16xf32> to vector<1x16xf32>
        tpu.vector_store %arg9[%swap3A_275, %swap3A_276], %swap3A_279 {strides = array<i32>} : memref<64x252xf32, #tpu.memory_space<vmem>>, vector<1x16xf32>,
        %add3A_280 = arith.constant 64 : i32
        %add3A_281 = arith.addi %add3A_280, %scan3A_138 : i32
        %get3A_282 = arith.index_cast %add3A_281 : i32 to index
        %get3A_283 = arith.constant 208 : index
        %get3A_284 = tpu.vector_load %arg6[%get3A_282, %get3A_283] {strides = array<i32>} : memref<128x256xf32, #tpu.memory_space<vmem>>, vector<1x16xf32>,
        %get3A_285 = vector.shape_cast %get3A_284 : vector<1x16xf32> to vector<16xf32>
        %swap3A_286 = arith.index_cast %scan3A_138 : i32 to index
        %swap3A_287 = arith.constant 208 : index
        %swap3A_288 = tpu.vector_load %arg9[%swap3A_286, %swap3A_287] {strides = array<i32>} : memref<64x252xf32, #tpu.memory_space<vmem>>, vector<1x16xf32>,
        %swap3A_289 = vector.shape_cast %swap3A_288 : vector<1x16xf32> to vector<16xf32>
        %swap3A_290 = vector.shape_cast %get3A_285 : vector<16xf32> to vector<1x16xf32>
        tpu.vector_store %arg9[%swap3A_286, %swap3A_287], %swap3A_290 {strides = array<i32>} : memref<64x252xf32, #tpu.memory_space<vmem>>, vector<1x16xf32>,
        %add3A_291 = arith.constant 64 : i32
        %add3A_292 = arith.addi %add3A_291, %scan3A_138 : i32
        %get3A_293 = arith.index_cast %add3A_292 : i32 to index
        %get3A_294 = arith.constant 224 : index
        %get3A_295 = tpu.vector_load %arg6[%get3A_293, %get3A_294] {strides = array<i32>} : memref<128x256xf32, #tpu.memory_space<vmem>>, vector<1x16xf32>,
        %get3A_296 = vector.shape_cast %get3A_295 : vector<1x16xf32> to vector<16xf32>
        %swap3A_297 = arith.index_cast %scan3A_138 : i32 to index
        %swap3A_298 = arith.constant 224 : index
        %swap3A_299 = tpu.vector_load %arg9[%swap3A_297, %swap3A_298] {strides = array<i32>} : memref<64x252xf32, #tpu.memory_space<vmem>>, vector<1x16xf32>,
        %swap3A_300 = vector.shape_cast %swap3A_299 : vector<1x16xf32> to vector<16xf32>
        %swap3A_301 = vector.shape_cast %get3A_296 : vector<16xf32> to vector<1x16xf32>
        tpu.vector_store %arg9[%swap3A_297, %swap3A_298], %swap3A_301 {strides = array<i32>} : memref<64x252xf32, #tpu.memory_space<vmem>>, vector<1x16xf32>,
        %add3A_302 = arith.constant 64 : i32
        %add3A_303 = arith.addi %add3A_302, %scan3A_138 : i32
        %get3A_304 = arith.index_cast %add3A_303 : i32 to index
        %get3A_305 = arith.constant 236 : index
        %get3A_306 = tpu.vector_load %arg6[%get3A_304, %get3A_305] {strides = array<i32>} : memref<128x256xf32, #tpu.memory_space<vmem>>, vector<1x16xf32>,
        %get3A_307 = vector.shape_cast %get3A_306 : vector<1x16xf32> to vector<16xf32>
        %swap3A_308 = arith.index_cast %scan3A_138 : i32 to index
        %swap3A_309 = arith.constant 236 : index
        %swap3A_310 = tpu.vector_load %arg9[%swap3A_308, %swap3A_309] {strides = array<i32>} : memref<64x252xf32, #tpu.memory_space<vmem>>, vector<1x16xf32>,
        %swap3A_311 = vector.shape_cast %swap3A_310 : vector<1x16xf32> to vector<16xf32>
        %swap3A_312 = vector.shape_cast %get3A_307 : vector<16xf32> to vector<1x16xf32>
        tpu.vector_store %arg9[%swap3A_308, %swap3A_309], %swap3A_312 {strides = array<i32>} : memref<64x252xf32, #tpu.memory_space<vmem>>, vector<1x16xf32>,
      }
      %scan3A_75 = arith.constant 64 : i32
      %add3A_76 = arith.constant 64 : i32
      %add3A_77 = arith.addi %mul3A_2, %add3A_76 : i32
      %dma_start3A_78 = arith.constant 0 : i32
      %dma_start3A_79 = tpu.memref_slice %arg4[%mul3A_33, %add3A_77, %dma_start3A_78] : memref<26x4096x252xf32, #tpu.memory_space<hbm>> -> memref<1x64x252xf32, #tpu.memory_space<hbm>>
      %dma_start3A_80 = tpu.memref_squeeze %dma_start3A_79 : memref<1x64x252xf32, #tpu.memory_space<hbm>> -> memref<64x252xf32, #tpu.memory_space<hbm>>
      %dma_start3A_81 = arith.constant 0 : i32
      %dma_start3A_82 = tpu.memref_slice %arg4[%mul3A_33, %add3A_77, %dma_start3A_81] : memref<26x4096x252xf32, #tpu.memory_space<hbm>> -> memref<1x64x252xf32, #tpu.memory_space<hbm>>
      %dma_start3A_83 = tpu.memref_squeeze %dma_start3A_82 : memref<1x64x252xf32, #tpu.memory_space<hbm>> -> memref<64x252xf32, #tpu.memory_space<hbm>>
      tpu.enqueue_dma source(%arg9 : memref<64x252xf32, #tpu.memory_space<vmem>>) target(%dma_start3A_83 : memref<64x252xf32, #tpu.memory_space<hbm>>) target_semaphore(%arg13 : memref<!tpu.dma_semaphore, #tpu.memory_space<semaphore_mem>>)
      %lt3A = arith.constant 12 : i32
      %lt3A_84 = arith.cmpi slt, %scan3A_31, %lt3A : i32
      %convert_element_type3A_85 = arith.extui %lt3A_84 : i1 to i32
      %cond3A_86 = arith.constant 0 : i32
      %cond3A_87 = arith.cmpi ne, %convert_element_type3A_85, %cond3A_86 : i32
      scf.if %cond3A_87 {
        %add3A_138 = arith.constant 2 : i32
        %add3A_139 = arith.addi %mul3A_33, %add3A_138 : i32
        %dma_start3A_140 = arith.constant 0 : i32
        %dma_start3A_141 = tpu.memref_slice %arg5[%add3A_139, %dma_start3A_140] : memref<26x128xi32, #tpu.memory_space<vmem>> -> memref<1x128xi32, #tpu.memory_space<vmem>>
        %dma_start3A_142 = tpu.memref_squeeze %dma_start3A_141 : memref<1x128xi32, #tpu.memory_space<vmem>> -> memref<128xi32, #tpu.memory_space<vmem>>
        %dma_start3A_143 = arith.constant 0 : i32
        %dma_start3A_144 = arith.constant 0 : i32
        %dma_start3A_145 = tpu.memref_slice %arg3[%dma_start3A_143, %dma_start3A_144] : memref<1000x256xf32, #tpu.memory_space<hbm>> -> memref<1000x256xf32, #tpu.memory_space<hbm>>
        tpu.enqueue_indirect_dma source(%dma_start3A_145 : memref<1000x256xf32, #tpu.memory_space<hbm>>) target(%arg6 : memref<128x256xf32, #tpu.memory_space<vmem>>) offsets(%dma_start3A_142 : memref<128xi32, #tpu.memory_space<vmem>>) semaphore(%arg10 : memref<!tpu.dma_semaphore, #tpu.memory_space<semaphore_mem>>)
      } else {
      }
      %add3A_88 = arith.constant 1 : i32
      %add3A_89 = arith.addi %mul3A_33, %add3A_88 : i32
      %dma_wait3A_90 = arith.constant 0 : i32
      %dma_wait3A_91 = tpu.memref_slice %arg5[%add3A_89, %dma_wait3A_90] : memref<26x128xi32, #tpu.memory_space<vmem>> -> memref<1x128xi32, #tpu.memory_space<vmem>>
      %dma_wait3A_92 = tpu.memref_squeeze %dma_wait3A_91 : memref<1x128xi32, #tpu.memory_space<vmem>> -> memref<128xi32, #tpu.memory_space<vmem>>
      %dma_wait3A_93 = arith.constant 0 : i32
      %dma_wait3A_94 = arith.constant 0 : i32
      %dma_wait3A_95 = tpu.memref_slice %arg3[%dma_wait3A_93, %dma_wait3A_94] : memref<1000x256xf32, #tpu.memory_space<hbm>> -> memref<1000x256xf32, #tpu.memory_space<hbm>>
      tpu.wait_indirect_dma semaphore(%arg11 : memref<!tpu.dma_semaphore, #tpu.memory_space<semaphore_mem>>) src(%dma_wait3A_95 : memref<1000x256xf32, #tpu.memory_space<hbm>>) dst(%arg7 : memref<128x256xf32, #tpu.memory_space<vmem>>)
      %add3A_96 = arith.constant 1 : i32
      %add3A_97 = arith.addi %mul3A_33, %add3A_96 : i32
      %not3A_98 = arith.constant false
      %not3A_99 = arith.constant true
      %not3A_100 = arith.xori %not3A_98, %not3A_99 : i1
      %convert_element_type3A_101 = arith.extui %not3A_100 : i1 to i32
      %cond3A_102 = arith.constant 0 : i32
      %cond3A_103 = arith.cmpi ne, %convert_element_type3A_101, %cond3A_102 : i32
      scf.if %cond3A_103 {
        %sub3A = arith.constant 1 : i32
        %sub3A_138 = arith.subi %add3A_97, %sub3A : i32
        %add3A_139 = arith.constant 0 : i32
        %add3A_140 = arith.addi %mul3A_2, %add3A_139 : i32
        %dma_wait3A_141 = arith.constant 0 : i32
        %dma_wait3A_142 = tpu.memref_slice %arg4[%sub3A_138, %add3A_140, %dma_wait3A_141] : memref<26x4096x252xf32, #tpu.memory_space<hbm>> -> memref<1x64x252xf32, #tpu.memory_space<hbm>>
        %dma_wait3A_143 = tpu.memref_squeeze %dma_wait3A_142 : memref<1x64x252xf32, #tpu.memory_space<hbm>> -> memref<64x252xf32, #tpu.memory_space<hbm>>
        %dma_wait3A_144 = arith.constant 0 : i32
        %dma_wait3A_145 = tpu.memref_slice %arg4[%sub3A_138, %add3A_140, %dma_wait3A_144] : memref<26x4096x252xf32, #tpu.memory_space<hbm>> -> memref<1x64x252xf32, #tpu.memory_space<hbm>>
        %dma_wait3A_146 = tpu.memref_squeeze %dma_wait3A_145 : memref<1x64x252xf32, #tpu.memory_space<hbm>> -> memref<64x252xf32, #tpu.memory_space<hbm>>
        tpu.wait_dma2 semaphore(%arg12 : memref<!tpu.dma_semaphore, #tpu.memory_space<semaphore_mem>>) src(%arg8 : memref<64x252xf32, #tpu.memory_space<vmem>>) dst(%dma_wait3A_146 : memref<64x252xf32, #tpu.memory_space<hbm>>)
      } else {
      }
      %scan3A_104 = arith.constant 0 : i32
      %scan3A_105 = arith.constant 0 : i32
      %scan3A_106 = arith.constant 64 : i32
      %scan3A_107 = arith.addi %scan3A_105, %scan3A_106 : i32
      %scan3A_108 = arith.constant 1 : i32
      scf.for %scan3A_138 = %scan3A_105 to %scan3A_107 step %scan3A_108  : i32 {
        %add3A_139 = arith.constant 0 : i32
        %add3A_140 = arith.addi %add3A_139, %scan3A_138 : i32
        %get3A = arith.index_cast %add3A_140 : i32 to index
        %get3A_141 = arith.constant 0 : index
        %get3A_142 = tpu.vector_load %arg7[%get3A, %get3A_141] {strides = array<i32>} : memref<128x256xf32, #tpu.memory_space<vmem>>, vector<1x16xf32>,
        %get3A_143 = vector.shape_cast %get3A_142 : vector<1x16xf32> to vector<16xf32>
        %swap3A = arith.index_cast %scan3A_138 : i32 to index
        %swap3A_144 = arith.constant 0 : index
        %swap3A_145 = tpu.vector_load %arg8[%swap3A, %swap3A_144] {strides = array<i32>} : memref<64x252xf32, #tpu.memory_space<vmem>>, vector<1x16xf32>,
        %swap3A_146 = vector.shape_cast %swap3A_145 : vector<1x16xf32> to vector<16xf32>
        %swap3A_147 = vector.shape_cast %get3A_143 : vector<16xf32> to vector<1x16xf32>
        tpu.vector_store %arg8[%swap3A, %swap3A_144], %swap3A_147 {strides = array<i32>} : memref<64x252xf32, #tpu.memory_space<vmem>>, vector<1x16xf32>,
        %add3A_148 = arith.constant 0 : i32
        %add3A_149 = arith.addi %add3A_148, %scan3A_138 : i32
        %get3A_150 = arith.index_cast %add3A_149 : i32 to index
        %get3A_151 = arith.constant 16 : index
        %get3A_152 = tpu.vector_load %arg7[%get3A_150, %get3A_151] {strides = array<i32>} : memref<128x256xf32, #tpu.memory_space<vmem>>, vector<1x16xf32>,
        %get3A_153 = vector.shape_cast %get3A_152 : vector<1x16xf32> to vector<16xf32>
        %swap3A_154 = arith.index_cast %scan3A_138 : i32 to index
        %swap3A_155 = arith.constant 16 : index
        %swap3A_156 = tpu.vector_load %arg8[%swap3A_154, %swap3A_155] {strides = array<i32>} : memref<64x252xf32, #tpu.memory_space<vmem>>, vector<1x16xf32>,
        %swap3A_157 = vector.shape_cast %swap3A_156 : vector<1x16xf32> to vector<16xf32>
        %swap3A_158 = vector.shape_cast %get3A_153 : vector<16xf32> to vector<1x16xf32>
        tpu.vector_store %arg8[%swap3A_154, %swap3A_155], %swap3A_158 {strides = array<i32>} : memref<64x252xf32, #tpu.memory_space<vmem>>, vector<1x16xf32>,
        %add3A_159 = arith.constant 0 : i32
        %add3A_160 = arith.addi %add3A_159, %scan3A_138 : i32
        %get3A_161 = arith.index_cast %add3A_160 : i32 to index
        %get3A_162 = arith.constant 32 : index
        %get3A_163 = tpu.vector_load %arg7[%get3A_161, %get3A_162] {strides = array<i32>} : memref<128x256xf32, #tpu.memory_space<vmem>>, vector<1x16xf32>,
        %get3A_164 = vector.shape_cast %get3A_163 : vector<1x16xf32> to vector<16xf32>
        %swap3A_165 = arith.index_cast %scan3A_138 : i32 to index
        %swap3A_166 = arith.constant 32 : index
        %swap3A_167 = tpu.vector_load %arg8[%swap3A_165, %swap3A_166] {strides = array<i32>} : memref<64x252xf32, #tpu.memory_space<vmem>>, vector<1x16xf32>,
        %swap3A_168 = vector.shape_cast %swap3A_167 : vector<1x16xf32> to vector<16xf32>
        %swap3A_169 = vector.shape_cast %get3A_164 : vector<16xf32> to vector<1x16xf32>
        tpu.vector_store %arg8[%swap3A_165, %swap3A_166], %swap3A_169 {strides = array<i32>} : memref<64x252xf32, #tpu.memory_space<vmem>>, vector<1x16xf32>,
        %add3A_170 = arith.constant 0 : i32
        %add3A_171 = arith.addi %add3A_170, %scan3A_138 : i32
        %get3A_172 = arith.index_cast %add3A_171 : i32 to index
        %get3A_173 = arith.constant 48 : index
        %get3A_174 = tpu.vector_load %arg7[%get3A_172, %get3A_173] {strides = array<i32>} : memref<128x256xf32, #tpu.memory_space<vmem>>, vector<1x16xf32>,
        %get3A_175 = vector.shape_cast %get3A_174 : vector<1x16xf32> to vector<16xf32>
        %swap3A_176 = arith.index_cast %scan3A_138 : i32 to index
        %swap3A_177 = arith.constant 48 : index
        %swap3A_178 = tpu.vector_load %arg8[%swap3A_176, %swap3A_177] {strides = array<i32>} : memref<64x252xf32, #tpu.memory_space<vmem>>, vector<1x16xf32>,
        %swap3A_179 = vector.shape_cast %swap3A_178 : vector<1x16xf32> to vector<16xf32>
        %swap3A_180 = vector.shape_cast %get3A_175 : vector<16xf32> to vector<1x16xf32>
        tpu.vector_store %arg8[%swap3A_176, %swap3A_177], %swap3A_180 {strides = array<i32>} : memref<64x252xf32, #tpu.memory_space<vmem>>, vector<1x16xf32>,
        %add3A_181 = arith.constant 0 : i32
        %add3A_182 = arith.addi %add3A_181, %scan3A_138 : i32
        %get3A_183 = arith.index_cast %add3A_182 : i32 to index
        %get3A_184 = arith.constant 64 : index
        %get3A_185 = tpu.vector_load %arg7[%get3A_183, %get3A_184] {strides = array<i32>} : memref<128x256xf32, #tpu.memory_space<vmem>>, vector<1x16xf32>,
        %get3A_186 = vector.shape_cast %get3A_185 : vector<1x16xf32> to vector<16xf32>
        %swap3A_187 = arith.index_cast %scan3A_138 : i32 to index
        %swap3A_188 = arith.constant 64 : index
        %swap3A_189 = tpu.vector_load %arg8[%swap3A_187, %swap3A_188] {strides = array<i32>} : memref<64x252xf32, #tpu.memory_space<vmem>>, vector<1x16xf32>,
        %swap3A_190 = vector.shape_cast %swap3A_189 : vector<1x16xf32> to vector<16xf32>
        %swap3A_191 = vector.shape_cast %get3A_186 : vector<16xf32> to vector<1x16xf32>
        tpu.vector_store %arg8[%swap3A_187, %swap3A_188], %swap3A_191 {strides = array<i32>} : memref<64x252xf32, #tpu.memory_space<vmem>>, vector<1x16xf32>,
        %add3A_192 = arith.constant 0 : i32
        %add3A_193 = arith.addi %add3A_192, %scan3A_138 : i32
        %get3A_194 = arith.index_cast %add3A_193 : i32 to index
        %get3A_195 = arith.constant 80 : index
        %get3A_196 = tpu.vector_load %arg7[%get3A_194, %get3A_195] {strides = array<i32>} : memref<128x256xf32, #tpu.memory_space<vmem>>, vector<1x16xf32>,
        %get3A_197 = vector.shape_cast %get3A_196 : vector<1x16xf32> to vector<16xf32>
        %swap3A_198 = arith.index_cast %scan3A_138 : i32 to index
        %swap3A_199 = arith.constant 80 : index
        %swap3A_200 = tpu.vector_load %arg8[%swap3A_198, %swap3A_199] {strides = array<i32>} : memref<64x252xf32, #tpu.memory_space<vmem>>, vector<1x16xf32>,
        %swap3A_201 = vector.shape_cast %swap3A_200 : vector<1x16xf32> to vector<16xf32>
        %swap3A_202 = vector.shape_cast %get3A_197 : vector<16xf32> to vector<1x16xf32>
        tpu.vector_store %arg8[%swap3A_198, %swap3A_199], %swap3A_202 {strides = array<i32>} : memref<64x252xf32, #tpu.memory_space<vmem>>, vector<1x16xf32>,
        %add3A_203 = arith.constant 0 : i32
        %add3A_204 = arith.addi %add3A_203, %scan3A_138 : i32
        %get3A_205 = arith.index_cast %add3A_204 : i32 to index
        %get3A_206 = arith.constant 96 : index
        %get3A_207 = tpu.vector_load %arg7[%get3A_205, %get3A_206] {strides = array<i32>} : memref<128x256xf32, #tpu.memory_space<vmem>>, vector<1x16xf32>,
        %get3A_208 = vector.shape_cast %get3A_207 : vector<1x16xf32> to vector<16xf32>
        %swap3A_209 = arith.index_cast %scan3A_138 : i32 to index
        %swap3A_210 = arith.constant 96 : index
        %swap3A_211 = tpu.vector_load %arg8[%swap3A_209, %swap3A_210] {strides = array<i32>} : memref<64x252xf32, #tpu.memory_space<vmem>>, vector<1x16xf32>,
        %swap3A_212 = vector.shape_cast %swap3A_211 : vector<1x16xf32> to vector<16xf32>
        %swap3A_213 = vector.shape_cast %get3A_208 : vector<16xf32> to vector<1x16xf32>
        tpu.vector_store %arg8[%swap3A_209, %swap3A_210], %swap3A_213 {strides = array<i32>} : memref<64x252xf32, #tpu.memory_space<vmem>>, vector<1x16xf32>,
        %add3A_214 = arith.constant 0 : i32
        %add3A_215 = arith.addi %add3A_214, %scan3A_138 : i32
        %get3A_216 = arith.index_cast %add3A_215 : i32 to index
        %get3A_217 = arith.constant 112 : index
        %get3A_218 = tpu.vector_load %arg7[%get3A_216, %get3A_217] {strides = array<i32>} : memref<128x256xf32, #tpu.memory_space<vmem>>, vector<1x16xf32>,
        %get3A_219 = vector.shape_cast %get3A_218 : vector<1x16xf32> to vector<16xf32>
        %swap3A_220 = arith.index_cast %scan3A_138 : i32 to index
        %swap3A_221 = arith.constant 112 : index
        %swap3A_222 = tpu.vector_load %arg8[%swap3A_220, %swap3A_221] {strides = array<i32>} : memref<64x252xf32, #tpu.memory_space<vmem>>, vector<1x16xf32>,
        %swap3A_223 = vector.shape_cast %swap3A_222 : vector<1x16xf32> to vector<16xf32>
        %swap3A_224 = vector.shape_cast %get3A_219 : vector<16xf32> to vector<1x16xf32>
        tpu.vector_store %arg8[%swap3A_220, %swap3A_221], %swap3A_224 {strides = array<i32>} : memref<64x252xf32, #tpu.memory_space<vmem>>, vector<1x16xf32>,
        %add3A_225 = arith.constant 0 : i32
        %add3A_226 = arith.addi %add3A_225, %scan3A_138 : i32
        %get3A_227 = arith.index_cast %add3A_226 : i32 to index
        %get3A_228 = arith.constant 128 : index
        %get3A_229 = tpu.vector_load %arg7[%get3A_227, %get3A_228] {strides = array<i32>} : memref<128x256xf32, #tpu.memory_space<vmem>>, vector<1x16xf32>,
        %get3A_230 = vector.shape_cast %get3A_229 : vector<1x16xf32> to vector<16xf32>
        %swap3A_231 = arith.index_cast %scan3A_138 : i32 to index
        %swap3A_232 = arith.constant 128 : index
        %swap3A_233 = tpu.vector_load %arg8[%swap3A_231, %swap3A_232] {strides = array<i32>} : memref<64x252xf32, #tpu.memory_space<vmem>>, vector<1x16xf32>,
        %swap3A_234 = vector.shape_cast %swap3A_233 : vector<1x16xf32> to vector<16xf32>
        %swap3A_235 = vector.shape_cast %get3A_230 : vector<16xf32> to vector<1x16xf32>
        tpu.vector_store %arg8[%swap3A_231, %swap3A_232], %swap3A_235 {strides = array<i32>} : memref<64x252xf32, #tpu.memory_space<vmem>>, vector<1x16xf32>,
        %add3A_236 = arith.constant 0 : i32
        %add3A_237 = arith.addi %add3A_236, %scan3A_138 : i32
        %get3A_238 = arith.index_cast %add3A_237 : i32 to index
        %get3A_239 = arith.constant 144 : index
        %get3A_240 = tpu.vector_load %arg7[%get3A_238, %get3A_239] {strides = array<i32>} : memref<128x256xf32, #tpu.memory_space<vmem>>, vector<1x16xf32>,
        %get3A_241 = vector.shape_cast %get3A_240 : vector<1x16xf32> to vector<16xf32>
        %swap3A_242 = arith.index_cast %scan3A_138 : i32 to index
        %swap3A_243 = arith.constant 144 : index
        %swap3A_244 = tpu.vector_load %arg8[%swap3A_242, %swap3A_243] {strides = array<i32>} : memref<64x252xf32, #tpu.memory_space<vmem>>, vector<1x16xf32>,
        %swap3A_245 = vector.shape_cast %swap3A_244 : vector<1x16xf32> to vector<16xf32>
        %swap3A_246 = vector.shape_cast %get3A_241 : vector<16xf32> to vector<1x16xf32>
        tpu.vector_store %arg8[%swap3A_242, %swap3A_243], %swap3A_246 {strides = array<i32>} : memref<64x252xf32, #tpu.memory_space<vmem>>, vector<1x16xf32>,
        %add3A_247 = arith.constant 0 : i32
        %add3A_248 = arith.addi %add3A_247, %scan3A_138 : i32
        %get3A_249 = arith.index_cast %add3A_248 : i32 to index
        %get3A_250 = arith.constant 160 : index
        %get3A_251 = tpu.vector_load %arg7[%get3A_249, %get3A_250] {strides = array<i32>} : memref<128x256xf32, #tpu.memory_space<vmem>>, vector<1x16xf32>,
        %get3A_252 = vector.shape_cast %get3A_251 : vector<1x16xf32> to vector<16xf32>
        %swap3A_253 = arith.index_cast %scan3A_138 : i32 to index
        %swap3A_254 = arith.constant 160 : index
        %swap3A_255 = tpu.vector_load %arg8[%swap3A_253, %swap3A_254] {strides = array<i32>} : memref<64x252xf32, #tpu.memory_space<vmem>>, vector<1x16xf32>,
        %swap3A_256 = vector.shape_cast %swap3A_255 : vector<1x16xf32> to vector<16xf32>
        %swap3A_257 = vector.shape_cast %get3A_252 : vector<16xf32> to vector<1x16xf32>
        tpu.vector_store %arg8[%swap3A_253, %swap3A_254], %swap3A_257 {strides = array<i32>} : memref<64x252xf32, #tpu.memory_space<vmem>>, vector<1x16xf32>,
        %add3A_258 = arith.constant 0 : i32
        %add3A_259 = arith.addi %add3A_258, %scan3A_138 : i32
        %get3A_260 = arith.index_cast %add3A_259 : i32 to index
        %get3A_261 = arith.constant 176 : index
        %get3A_262 = tpu.vector_load %arg7[%get3A_260, %get3A_261] {strides = array<i32>} : memref<128x256xf32, #tpu.memory_space<vmem>>, vector<1x16xf32>,
        %get3A_263 = vector.shape_cast %get3A_262 : vector<1x16xf32> to vector<16xf32>
        %swap3A_264 = arith.index_cast %scan3A_138 : i32 to index
        %swap3A_265 = arith.constant 176 : index
        %swap3A_266 = tpu.vector_load %arg8[%swap3A_264, %swap3A_265] {strides = array<i32>} : memref<64x252xf32, #tpu.memory_space<vmem>>, vector<1x16xf32>,
        %swap3A_267 = vector.shape_cast %swap3A_266 : vector<1x16xf32> to vector<16xf32>
        %swap3A_268 = vector.shape_cast %get3A_263 : vector<16xf32> to vector<1x16xf32>
        tpu.vector_store %arg8[%swap3A_264, %swap3A_265], %swap3A_268 {strides = array<i32>} : memref<64x252xf32, #tpu.memory_space<vmem>>, vector<1x16xf32>,
        %add3A_269 = arith.constant 0 : i32
        %add3A_270 = arith.addi %add3A_269, %scan3A_138 : i32
        %get3A_271 = arith.index_cast %add3A_270 : i32 to index
        %get3A_272 = arith.constant 192 : index
        %get3A_273 = tpu.vector_load %arg7[%get3A_271, %get3A_272] {strides = array<i32>} : memref<128x256xf32, #tpu.memory_space<vmem>>, vector<1x16xf32>,
        %get3A_274 = vector.shape_cast %get3A_273 : vector<1x16xf32> to vector<16xf32>
        %swap3A_275 = arith.index_cast %scan3A_138 : i32 to index
        %swap3A_276 = arith.constant 192 : index
        %swap3A_277 = tpu.vector_load %arg8[%swap3A_275, %swap3A_276] {strides = array<i32>} : memref<64x252xf32, #tpu.memory_space<vmem>>, vector<1x16xf32>,
        %swap3A_278 = vector.shape_cast %swap3A_277 : vector<1x16xf32> to vector<16xf32>
        %swap3A_279 = vector.shape_cast %get3A_274 : vector<16xf32> to vector<1x16xf32>
        tpu.vector_store %arg8[%swap3A_275, %swap3A_276], %swap3A_279 {strides = array<i32>} : memref<64x252xf32, #tpu.memory_space<vmem>>, vector<1x16xf32>,
        %add3A_280 = arith.constant 0 : i32
        %add3A_281 = arith.addi %add3A_280, %scan3A_138 : i32
        %get3A_282 = arith.index_cast %add3A_281 : i32 to index
        %get3A_283 = arith.constant 208 : index
        %get3A_284 = tpu.vector_load %arg7[%get3A_282, %get3A_283] {strides = array<i32>} : memref<128x256xf32, #tpu.memory_space<vmem>>, vector<1x16xf32>,
        %get3A_285 = vector.shape_cast %get3A_284 : vector<1x16xf32> to vector<16xf32>
        %swap3A_286 = arith.index_cast %scan3A_138 : i32 to index
        %swap3A_287 = arith.constant 208 : index
        %swap3A_288 = tpu.vector_load %arg8[%swap3A_286, %swap3A_287] {strides = array<i32>} : memref<64x252xf32, #tpu.memory_space<vmem>>, vector<1x16xf32>,
        %swap3A_289 = vector.shape_cast %swap3A_288 : vector<1x16xf32> to vector<16xf32>
        %swap3A_290 = vector.shape_cast %get3A_285 : vector<16xf32> to vector<1x16xf32>
        tpu.vector_store %arg8[%swap3A_286, %swap3A_287], %swap3A_290 {strides = array<i32>} : memref<64x252xf32, #tpu.memory_space<vmem>>, vector<1x16xf32>,
        %add3A_291 = arith.constant 0 : i32
        %add3A_292 = arith.addi %add3A_291, %scan3A_138 : i32
        %get3A_293 = arith.index_cast %add3A_292 : i32 to index
        %get3A_294 = arith.constant 224 : index
        %get3A_295 = tpu.vector_load %arg7[%get3A_293, %get3A_294] {strides = array<i32>} : memref<128x256xf32, #tpu.memory_space<vmem>>, vector<1x16xf32>,
        %get3A_296 = vector.shape_cast %get3A_295 : vector<1x16xf32> to vector<16xf32>
        %swap3A_297 = arith.index_cast %scan3A_138 : i32 to index
        %swap3A_298 = arith.constant 224 : index
        %swap3A_299 = tpu.vector_load %arg8[%swap3A_297, %swap3A_298] {strides = array<i32>} : memref<64x252xf32, #tpu.memory_space<vmem>>, vector<1x16xf32>,
        %swap3A_300 = vector.shape_cast %swap3A_299 : vector<1x16xf32> to vector<16xf32>
        %swap3A_301 = vector.shape_cast %get3A_296 : vector<16xf32> to vector<1x16xf32>
        tpu.vector_store %arg8[%swap3A_297, %swap3A_298], %swap3A_301 {strides = array<i32>} : memref<64x252xf32, #tpu.memory_space<vmem>>, vector<1x16xf32>,
        %add3A_302 = arith.constant 0 : i32
        %add3A_303 = arith.addi %add3A_302, %scan3A_138 : i32
        %get3A_304 = arith.index_cast %add3A_303 : i32 to index
        %get3A_305 = arith.constant 236 : index
        %get3A_306 = tpu.vector_load %arg7[%get3A_304, %get3A_305] {strides = array<i32>} : memref<128x256xf32, #tpu.memory_space<vmem>>, vector<1x16xf32>,
        %get3A_307 = vector.shape_cast %get3A_306 : vector<1x16xf32> to vector<16xf32>
        %swap3A_308 = arith.index_cast %scan3A_138 : i32 to index
        %swap3A_309 = arith.constant 236 : index
        %swap3A_310 = tpu.vector_load %arg8[%swap3A_308, %swap3A_309] {strides = array<i32>} : memref<64x252xf32, #tpu.memory_space<vmem>>, vector<1x16xf32>,
        %swap3A_311 = vector.shape_cast %swap3A_310 : vector<1x16xf32> to vector<16xf32>
        %swap3A_312 = vector.shape_cast %get3A_307 : vector<16xf32> to vector<1x16xf32>
        tpu.vector_store %arg8[%swap3A_308, %swap3A_309], %swap3A_312 {strides = array<i32>} : memref<64x252xf32, #tpu.memory_space<vmem>>, vector<1x16xf32>,
      }
      %scan3A_109 = arith.constant 64 : i32
      %add3A_110 = arith.constant 0 : i32
      %add3A_111 = arith.addi %mul3A_2, %add3A_110 : i32
      %dma_start3A_112 = arith.constant 0 : i32
      %dma_start3A_113 = tpu.memref_slice %arg4[%add3A_97, %add3A_111, %dma_start3A_112] : memref<26x4096x252xf32, #tpu.memory_space<hbm>> -> memref<1x64x252xf32, #tpu.memory_space<hbm>>
      %dma_start3A_114 = tpu.memref_squeeze %dma_start3A_113 : memref<1x64x252xf32, #tpu.memory_space<hbm>> -> memref<64x252xf32, #tpu.memory_space<hbm>>
      %dma_start3A_115 = arith.constant 0 : i32
      %dma_start3A_116 = tpu.memref_slice %arg4[%add3A_97, %add3A_111, %dma_start3A_115] : memref<26x4096x252xf32, #tpu.memory_space<hbm>> -> memref<1x64x252xf32, #tpu.memory_space<hbm>>
      %dma_start3A_117 = tpu.memref_squeeze %dma_start3A_116 : memref<1x64x252xf32, #tpu.memory_space<hbm>> -> memref<64x252xf32, #tpu.memory_space<hbm>>
      tpu.enqueue_dma source(%arg8 : memref<64x252xf32, #tpu.memory_space<vmem>>) target(%dma_start3A_117 : memref<64x252xf32, #tpu.memory_space<hbm>>) target_semaphore(%arg12 : memref<!tpu.dma_semaphore, #tpu.memory_space<semaphore_mem>>)
      %not3A_118 = arith.constant false
      %not3A_119 = arith.constant true
      %not3A_120 = arith.xori %not3A_118, %not3A_119 : i1
      %convert_element_type3A_121 = arith.extui %not3A_120 : i1 to i32
      %cond3A_122 = arith.constant 0 : i32
      %cond3A_123 = arith.cmpi ne, %convert_element_type3A_121, %cond3A_122 : i32
      scf.if %cond3A_123 {
        %sub3A = arith.constant 1 : i32
        %sub3A_138 = arith.subi %add3A_97, %sub3A : i32
        %add3A_139 = arith.constant 64 : i32
        %add3A_140 = arith.addi %mul3A_2, %add3A_139 : i32
        %dma_wait3A_141 = arith.constant 0 : i32
        %dma_wait3A_142 = tpu.memref_slice %arg4[%sub3A_138, %add3A_140, %dma_wait3A_141] : memref<26x4096x252xf32, #tpu.memory_space<hbm>> -> memref<1x64x252xf32, #tpu.memory_space<hbm>>
        %dma_wait3A_143 = tpu.memref_squeeze %dma_wait3A_142 : memref<1x64x252xf32, #tpu.memory_space<hbm>> -> memref<64x252xf32, #tpu.memory_space<hbm>>
        %dma_wait3A_144 = arith.constant 0 : i32
        %dma_wait3A_145 = tpu.memref_slice %arg4[%sub3A_138, %add3A_140, %dma_wait3A_144] : memref<26x4096x252xf32, #tpu.memory_space<hbm>> -> memref<1x64x252xf32, #tpu.memory_space<hbm>>
        %dma_wait3A_146 = tpu.memref_squeeze %dma_wait3A_145 : memref<1x64x252xf32, #tpu.memory_space<hbm>> -> memref<64x252xf32, #tpu.memory_space<hbm>>
        tpu.wait_dma2 semaphore(%arg13 : memref<!tpu.dma_semaphore, #tpu.memory_space<semaphore_mem>>) src(%arg9 : memref<64x252xf32, #tpu.memory_space<vmem>>) dst(%dma_wait3A_146 : memref<64x252xf32, #tpu.memory_space<hbm>>)
      } else {
      }
      %scan3A_124 = arith.constant 0 : i32
      %scan3A_125 = arith.constant 0 : i32
      %scan3A_126 = arith.constant 64 : i32
      %scan3A_127 = arith.addi %scan3A_125, %scan3A_126 : i32
      %scan3A_128 = arith.constant 1 : i32
      scf.for %scan3A_138 = %scan3A_125 to %scan3A_127 step %scan3A_128  : i32 {
        %add3A_139 = arith.constant 64 : i32
        %add3A_140 = arith.addi %add3A_139, %scan3A_138 : i32
        %get3A = arith.index_cast %add3A_140 : i32 to index
        %get3A_141 = arith.constant 0 : index
        %get3A_142 = tpu.vector_load %arg7[%get3A, %get3A_141] {strides = array<i32>} : memref<128x256xf32, #tpu.memory_space<vmem>>, vector<1x16xf32>,
        %get3A_143 = vector.shape_cast %get3A_142 : vector<1x16xf32> to vector<16xf32>
        %swap3A = arith.index_cast %scan3A_138 : i32 to index
        %swap3A_144 = arith.constant 0 : index
        %swap3A_145 = tpu.vector_load %arg9[%swap3A, %swap3A_144] {strides = array<i32>} : memref<64x252xf32, #tpu.memory_space<vmem>>, vector<1x16xf32>,
        %swap3A_146 = vector.shape_cast %swap3A_145 : vector<1x16xf32> to vector<16xf32>
        %swap3A_147 = vector.shape_cast %get3A_143 : vector<16xf32> to vector<1x16xf32>
        tpu.vector_store %arg9[%swap3A, %swap3A_144], %swap3A_147 {strides = array<i32>} : memref<64x252xf32, #tpu.memory_space<vmem>>, vector<1x16xf32>,
        %add3A_148 = arith.constant 64 : i32
        %add3A_149 = arith.addi %add3A_148, %scan3A_138 : i32
        %get3A_150 = arith.index_cast %add3A_149 : i32 to index
        %get3A_151 = arith.constant 16 : index
        %get3A_152 = tpu.vector_load %arg7[%get3A_150, %get3A_151] {strides = array<i32>} : memref<128x256xf32, #tpu.memory_space<vmem>>, vector<1x16xf32>,
        %get3A_153 = vector.shape_cast %get3A_152 : vector<1x16xf32> to vector<16xf32>
        %swap3A_154 = arith.index_cast %scan3A_138 : i32 to index
        %swap3A_155 = arith.constant 16 : index
        %swap3A_156 = tpu.vector_load %arg9[%swap3A_154, %swap3A_155] {strides = array<i32>} : memref<64x252xf32, #tpu.memory_space<vmem>>, vector<1x16xf32>,
        %swap3A_157 = vector.shape_cast %swap3A_156 : vector<1x16xf32> to vector<16xf32>
        %swap3A_158 = vector.shape_cast %get3A_153 : vector<16xf32> to vector<1x16xf32>
        tpu.vector_store %arg9[%swap3A_154, %swap3A_155], %swap3A_158 {strides = array<i32>} : memref<64x252xf32, #tpu.memory_space<vmem>>, vector<1x16xf32>,
        %add3A_159 = arith.constant 64 : i32
        %add3A_160 = arith.addi %add3A_159, %scan3A_138 : i32
        %get3A_161 = arith.index_cast %add3A_160 : i32 to index
        %get3A_162 = arith.constant 32 : index
        %get3A_163 = tpu.vector_load %arg7[%get3A_161, %get3A_162] {strides = array<i32>} : memref<128x256xf32, #tpu.memory_space<vmem>>, vector<1x16xf32>,
        %get3A_164 = vector.shape_cast %get3A_163 : vector<1x16xf32> to vector<16xf32>
        %swap3A_165 = arith.index_cast %scan3A_138 : i32 to index
        %swap3A_166 = arith.constant 32 : index
        %swap3A_167 = tpu.vector_load %arg9[%swap3A_165, %swap3A_166] {strides = array<i32>} : memref<64x252xf32, #tpu.memory_space<vmem>>, vector<1x16xf32>,
        %swap3A_168 = vector.shape_cast %swap3A_167 : vector<1x16xf32> to vector<16xf32>
        %swap3A_169 = vector.shape_cast %get3A_164 : vector<16xf32> to vector<1x16xf32>
        tpu.vector_store %arg9[%swap3A_165, %swap3A_166], %swap3A_169 {strides = array<i32>} : memref<64x252xf32, #tpu.memory_space<vmem>>, vector<1x16xf32>,
        %add3A_170 = arith.constant 64 : i32
        %add3A_171 = arith.addi %add3A_170, %scan3A_138 : i32
        %get3A_172 = arith.index_cast %add3A_171 : i32 to index
        %get3A_173 = arith.constant 48 : index
        %get3A_174 = tpu.vector_load %arg7[%get3A_172, %get3A_173] {strides = array<i32>} : memref<128x256xf32, #tpu.memory_space<vmem>>, vector<1x16xf32>,
        %get3A_175 = vector.shape_cast %get3A_174 : vector<1x16xf32> to vector<16xf32>
        %swap3A_176 = arith.index_cast %scan3A_138 : i32 to index
        %swap3A_177 = arith.constant 48 : index
        %swap3A_178 = tpu.vector_load %arg9[%swap3A_176, %swap3A_177] {strides = array<i32>} : memref<64x252xf32, #tpu.memory_space<vmem>>, vector<1x16xf32>,
        %swap3A_179 = vector.shape_cast %swap3A_178 : vector<1x16xf32> to vector<16xf32>
        %swap3A_180 = vector.shape_cast %get3A_175 : vector<16xf32> to vector<1x16xf32>
        tpu.vector_store %arg9[%swap3A_176, %swap3A_177], %swap3A_180 {strides = array<i32>} : memref<64x252xf32, #tpu.memory_space<vmem>>, vector<1x16xf32>,
        %add3A_181 = arith.constant 64 : i32
        %add3A_182 = arith.addi %add3A_181, %scan3A_138 : i32
        %get3A_183 = arith.index_cast %add3A_182 : i32 to index
        %get3A_184 = arith.constant 64 : index
        %get3A_185 = tpu.vector_load %arg7[%get3A_183, %get3A_184] {strides = array<i32>} : memref<128x256xf32, #tpu.memory_space<vmem>>, vector<1x16xf32>,
        %get3A_186 = vector.shape_cast %get3A_185 : vector<1x16xf32> to vector<16xf32>
        %swap3A_187 = arith.index_cast %scan3A_138 : i32 to index
        %swap3A_188 = arith.constant 64 : index
        %swap3A_189 = tpu.vector_load %arg9[%swap3A_187, %swap3A_188] {strides = array<i32>} : memref<64x252xf32, #tpu.memory_space<vmem>>, vector<1x16xf32>,
        %swap3A_190 = vector.shape_cast %swap3A_189 : vector<1x16xf32> to vector<16xf32>
        %swap3A_191 = vector.shape_cast %get3A_186 : vector<16xf32> to vector<1x16xf32>
        tpu.vector_store %arg9[%swap3A_187, %swap3A_188], %swap3A_191 {strides = array<i32>} : memref<64x252xf32, #tpu.memory_space<vmem>>, vector<1x16xf32>,
        %add3A_192 = arith.constant 64 : i32
        %add3A_193 = arith.addi %add3A_192, %scan3A_138 : i32
        %get3A_194 = arith.index_cast %add3A_193 : i32 to index
        %get3A_195 = arith.constant 80 : index
        %get3A_196 = tpu.vector_load %arg7[%get3A_194, %get3A_195] {strides = array<i32>} : memref<128x256xf32, #tpu.memory_space<vmem>>, vector<1x16xf32>,
        %get3A_197 = vector.shape_cast %get3A_196 : vector<1x16xf32> to vector<16xf32>
        %swap3A_198 = arith.index_cast %scan3A_138 : i32 to index
        %swap3A_199 = arith.constant 80 : index
        %swap3A_200 = tpu.vector_load %arg9[%swap3A_198, %swap3A_199] {strides = array<i32>} : memref<64x252xf32, #tpu.memory_space<vmem>>, vector<1x16xf32>,
        %swap3A_201 = vector.shape_cast %swap3A_200 : vector<1x16xf32> to vector<16xf32>
        %swap3A_202 = vector.shape_cast %get3A_197 : vector<16xf32> to vector<1x16xf32>
        tpu.vector_store %arg9[%swap3A_198, %swap3A_199], %swap3A_202 {strides = array<i32>} : memref<64x252xf32, #tpu.memory_space<vmem>>, vector<1x16xf32>,
        %add3A_203 = arith.constant 64 : i32
        %add3A_204 = arith.addi %add3A_203, %scan3A_138 : i32
        %get3A_205 = arith.index_cast %add3A_204 : i32 to index
        %get3A_206 = arith.constant 96 : index
        %get3A_207 = tpu.vector_load %arg7[%get3A_205, %get3A_206] {strides = array<i32>} : memref<128x256xf32, #tpu.memory_space<vmem>>, vector<1x16xf32>,
        %get3A_208 = vector.shape_cast %get3A_207 : vector<1x16xf32> to vector<16xf32>
        %swap3A_209 = arith.index_cast %scan3A_138 : i32 to index
        %swap3A_210 = arith.constant 96 : index
        %swap3A_211 = tpu.vector_load %arg9[%swap3A_209, %swap3A_210] {strides = array<i32>} : memref<64x252xf32, #tpu.memory_space<vmem>>, vector<1x16xf32>,
        %swap3A_212 = vector.shape_cast %swap3A_211 : vector<1x16xf32> to vector<16xf32>
        %swap3A_213 = vector.shape_cast %get3A_208 : vector<16xf32> to vector<1x16xf32>
        tpu.vector_store %arg9[%swap3A_209, %swap3A_210], %swap3A_213 {strides = array<i32>} : memref<64x252xf32, #tpu.memory_space<vmem>>, vector<1x16xf32>,
        %add3A_214 = arith.constant 64 : i32
        %add3A_215 = arith.addi %add3A_214, %scan3A_138 : i32
        %get3A_216 = arith.index_cast %add3A_215 : i32 to index
        %get3A_217 = arith.constant 112 : index
        %get3A_218 = tpu.vector_load %arg7[%get3A_216, %get3A_217] {strides = array<i32>} : memref<128x256xf32, #tpu.memory_space<vmem>>, vector<1x16xf32>,
        %get3A_219 = vector.shape_cast %get3A_218 : vector<1x16xf32> to vector<16xf32>
        %swap3A_220 = arith.index_cast %scan3A_138 : i32 to index
        %swap3A_221 = arith.constant 112 : index
        %swap3A_222 = tpu.vector_load %arg9[%swap3A_220, %swap3A_221] {strides = array<i32>} : memref<64x252xf32, #tpu.memory_space<vmem>>, vector<1x16xf32>,
        %swap3A_223 = vector.shape_cast %swap3A_222 : vector<1x16xf32> to vector<16xf32>
        %swap3A_224 = vector.shape_cast %get3A_219 : vector<16xf32> to vector<1x16xf32>
        tpu.vector_store %arg9[%swap3A_220, %swap3A_221], %swap3A_224 {strides = array<i32>} : memref<64x252xf32, #tpu.memory_space<vmem>>, vector<1x16xf32>,
        %add3A_225 = arith.constant 64 : i32
        %add3A_226 = arith.addi %add3A_225, %scan3A_138 : i32
        %get3A_227 = arith.index_cast %add3A_226 : i32 to index
        %get3A_228 = arith.constant 128 : index
        %get3A_229 = tpu.vector_load %arg7[%get3A_227, %get3A_228] {strides = array<i32>} : memref<128x256xf32, #tpu.memory_space<vmem>>, vector<1x16xf32>,
        %get3A_230 = vector.shape_cast %get3A_229 : vector<1x16xf32> to vector<16xf32>
        %swap3A_231 = arith.index_cast %scan3A_138 : i32 to index
        %swap3A_232 = arith.constant 128 : index
        %swap3A_233 = tpu.vector_load %arg9[%swap3A_231, %swap3A_232] {strides = array<i32>} : memref<64x252xf32, #tpu.memory_space<vmem>>, vector<1x16xf32>,
        %swap3A_234 = vector.shape_cast %swap3A_233 : vector<1x16xf32> to vector<16xf32>
        %swap3A_235 = vector.shape_cast %get3A_230 : vector<16xf32> to vector<1x16xf32>
        tpu.vector_store %arg9[%swap3A_231, %swap3A_232], %swap3A_235 {strides = array<i32>} : memref<64x252xf32, #tpu.memory_space<vmem>>, vector<1x16xf32>,
        %add3A_236 = arith.constant 64 : i32
        %add3A_237 = arith.addi %add3A_236, %scan3A_138 : i32
        %get3A_238 = arith.index_cast %add3A_237 : i32 to index
        %get3A_239 = arith.constant 144 : index
        %get3A_240 = tpu.vector_load %arg7[%get3A_238, %get3A_239] {strides = array<i32>} : memref<128x256xf32, #tpu.memory_space<vmem>>, vector<1x16xf32>,
        %get3A_241 = vector.shape_cast %get3A_240 : vector<1x16xf32> to vector<16xf32>
        %swap3A_242 = arith.index_cast %scan3A_138 : i32 to index
        %swap3A_243 = arith.constant 144 : index
        %swap3A_244 = tpu.vector_load %arg9[%swap3A_242, %swap3A_243] {strides = array<i32>} : memref<64x252xf32, #tpu.memory_space<vmem>>, vector<1x16xf32>,
        %swap3A_245 = vector.shape_cast %swap3A_244 : vector<1x16xf32> to vector<16xf32>
        %swap3A_246 = vector.shape_cast %get3A_241 : vector<16xf32> to vector<1x16xf32>
        tpu.vector_store %arg9[%swap3A_242, %swap3A_243], %swap3A_246 {strides = array<i32>} : memref<64x252xf32, #tpu.memory_space<vmem>>, vector<1x16xf32>,
        %add3A_247 = arith.constant 64 : i32
        %add3A_248 = arith.addi %add3A_247, %scan3A_138 : i32
        %get3A_249 = arith.index_cast %add3A_248 : i32 to index
        %get3A_250 = arith.constant 160 : index
        %get3A_251 = tpu.vector_load %arg7[%get3A_249, %get3A_250] {strides = array<i32>} : memref<128x256xf32, #tpu.memory_space<vmem>>, vector<1x16xf32>,
        %get3A_252 = vector.shape_cast %get3A_251 : vector<1x16xf32> to vector<16xf32>
        %swap3A_253 = arith.index_cast %scan3A_138 : i32 to index
        %swap3A_254 = arith.constant 160 : index
        %swap3A_255 = tpu.vector_load %arg9[%swap3A_253, %swap3A_254] {strides = array<i32>} : memref<64x252xf32, #tpu.memory_space<vmem>>, vector<1x16xf32>,
        %swap3A_256 = vector.shape_cast %swap3A_255 : vector<1x16xf32> to vector<16xf32>
        %swap3A_257 = vector.shape_cast %get3A_252 : vector<16xf32> to vector<1x16xf32>
        tpu.vector_store %arg9[%swap3A_253, %swap3A_254], %swap3A_257 {strides = array<i32>} : memref<64x252xf32, #tpu.memory_space<vmem>>, vector<1x16xf32>,
        %add3A_258 = arith.constant 64 : i32
        %add3A_259 = arith.addi %add3A_258, %scan3A_138 : i32
        %get3A_260 = arith.index_cast %add3A_259 : i32 to index
        %get3A_261 = arith.constant 176 : index
        %get3A_262 = tpu.vector_load %arg7[%get3A_260, %get3A_261] {strides = array<i32>} : memref<128x256xf32, #tpu.memory_space<vmem>>, vector<1x16xf32>,
        %get3A_263 = vector.shape_cast %get3A_262 : vector<1x16xf32> to vector<16xf32>
        %swap3A_264 = arith.index_cast %scan3A_138 : i32 to index
        %swap3A_265 = arith.constant 176 : index
        %swap3A_266 = tpu.vector_load %arg9[%swap3A_264, %swap3A_265] {strides = array<i32>} : memref<64x252xf32, #tpu.memory_space<vmem>>, vector<1x16xf32>,
        %swap3A_267 = vector.shape_cast %swap3A_266 : vector<1x16xf32> to vector<16xf32>
        %swap3A_268 = vector.shape_cast %get3A_263 : vector<16xf32> to vector<1x16xf32>
        tpu.vector_store %arg9[%swap3A_264, %swap3A_265], %swap3A_268 {strides = array<i32>} : memref<64x252xf32, #tpu.memory_space<vmem>>, vector<1x16xf32>,
        %add3A_269 = arith.constant 64 : i32
        %add3A_270 = arith.addi %add3A_269, %scan3A_138 : i32
        %get3A_271 = arith.index_cast %add3A_270 : i32 to index
        %get3A_272 = arith.constant 192 : index
        %get3A_273 = tpu.vector_load %arg7[%get3A_271, %get3A_272] {strides = array<i32>} : memref<128x256xf32, #tpu.memory_space<vmem>>, vector<1x16xf32>,
        %get3A_274 = vector.shape_cast %get3A_273 : vector<1x16xf32> to vector<16xf32>
        %swap3A_275 = arith.index_cast %scan3A_138 : i32 to index
        %swap3A_276 = arith.constant 192 : index
        %swap3A_277 = tpu.vector_load %arg9[%swap3A_275, %swap3A_276] {strides = array<i32>} : memref<64x252xf32, #tpu.memory_space<vmem>>, vector<1x16xf32>,
        %swap3A_278 = vector.shape_cast %swap3A_277 : vector<1x16xf32> to vector<16xf32>
        %swap3A_279 = vector.shape_cast %get3A_274 : vector<16xf32> to vector<1x16xf32>
        tpu.vector_store %arg9[%swap3A_275, %swap3A_276], %swap3A_279 {strides = array<i32>} : memref<64x252xf32, #tpu.memory_space<vmem>>, vector<1x16xf32>,
        %add3A_280 = arith.constant 64 : i32
        %add3A_281 = arith.addi %add3A_280, %scan3A_138 : i32
        %get3A_282 = arith.index_cast %add3A_281 : i32 to index
        %get3A_283 = arith.constant 208 : index
        %get3A_284 = tpu.vector_load %arg7[%get3A_282, %get3A_283] {strides = array<i32>} : memref<128x256xf32, #tpu.memory_space<vmem>>, vector<1x16xf32>,
        %get3A_285 = vector.shape_cast %get3A_284 : vector<1x16xf32> to vector<16xf32>
        %swap3A_286 = arith.index_cast %scan3A_138 : i32 to index
        %swap3A_287 = arith.constant 208 : index
        %swap3A_288 = tpu.vector_load %arg9[%swap3A_286, %swap3A_287] {strides = array<i32>} : memref<64x252xf32, #tpu.memory_space<vmem>>, vector<1x16xf32>,
        %swap3A_289 = vector.shape_cast %swap3A_288 : vector<1x16xf32> to vector<16xf32>
        %swap3A_290 = vector.shape_cast %get3A_285 : vector<16xf32> to vector<1x16xf32>
        tpu.vector_store %arg9[%swap3A_286, %swap3A_287], %swap3A_290 {strides = array<i32>} : memref<64x252xf32, #tpu.memory_space<vmem>>, vector<1x16xf32>,
        %add3A_291 = arith.constant 64 : i32
        %add3A_292 = arith.addi %add3A_291, %scan3A_138 : i32
        %get3A_293 = arith.index_cast %add3A_292 : i32 to index
        %get3A_294 = arith.constant 224 : index
        %get3A_295 = tpu.vector_load %arg7[%get3A_293, %get3A_294] {strides = array<i32>} : memref<128x256xf32, #tpu.memory_space<vmem>>, vector<1x16xf32>,
        %get3A_296 = vector.shape_cast %get3A_295 : vector<1x16xf32> to vector<16xf32>
        %swap3A_297 = arith.index_cast %scan3A_138 : i32 to index
        %swap3A_298 = arith.constant 224 : index
        %swap3A_299 = tpu.vector_load %arg9[%swap3A_297, %swap3A_298] {strides = array<i32>} : memref<64x252xf32, #tpu.memory_space<vmem>>, vector<1x16xf32>,
        %swap3A_300 = vector.shape_cast %swap3A_299 : vector<1x16xf32> to vector<16xf32>
        %swap3A_301 = vector.shape_cast %get3A_296 : vector<16xf32> to vector<1x16xf32>
        tpu.vector_store %arg9[%swap3A_297, %swap3A_298], %swap3A_301 {strides = array<i32>} : memref<64x252xf32, #tpu.memory_space<vmem>>, vector<1x16xf32>,
        %add3A_302 = arith.constant 64 : i32
        %add3A_303 = arith.addi %add3A_302, %scan3A_138 : i32
        %get3A_304 = arith.index_cast %add3A_303 : i32 to index
        %get3A_305 = arith.constant 236 : index
        %get3A_306 = tpu.vector_load %arg7[%get3A_304, %get3A_305] {strides = array<i32>} : memref<128x256xf32, #tpu.memory_space<vmem>>, vector<1x16xf32>,
        %get3A_307 = vector.shape_cast %get3A_306 : vector<1x16xf32> to vector<16xf32>
        %swap3A_308 = arith.index_cast %scan3A_138 : i32 to index
        %swap3A_309 = arith.constant 236 : index
        %swap3A_310 = tpu.vector_load %arg9[%swap3A_308, %swap3A_309] {strides = array<i32>} : memref<64x252xf32, #tpu.memory_space<vmem>>, vector<1x16xf32>,
        %swap3A_311 = vector.shape_cast %swap3A_310 : vector<1x16xf32> to vector<16xf32>
        %swap3A_312 = vector.shape_cast %get3A_307 : vector<16xf32> to vector<1x16xf32>
        tpu.vector_store %arg9[%swap3A_308, %swap3A_309], %swap3A_312 {strides = array<i32>} : memref<64x252xf32, #tpu.memory_space<vmem>>, vector<1x16xf32>,
      }
      %scan3A_129 = arith.constant 64 : i32
      %add3A_130 = arith.constant 64 : i32
      %add3A_131 = arith.addi %mul3A_2, %add3A_130 : i32
      %dma_start3A_132 = arith.constant 0 : i32
      %dma_start3A_133 = tpu.memref_slice %arg4[%add3A_97, %add3A_131, %dma_start3A_132] : memref<26x4096x252xf32, #tpu.memory_space<hbm>> -> memref<1x64x252xf32, #tpu.memory_space<hbm>>
      %dma_start3A_134 = tpu.memref_squeeze %dma_start3A_133 : memref<1x64x252xf32, #tpu.memory_space<hbm>> -> memref<64x252xf32, #tpu.memory_space<hbm>>
      %dma_start3A_135 = arith.constant 0 : i32
      %dma_start3A_136 = tpu.memref_slice %arg4[%add3A_97, %add3A_131, %dma_start3A_135] : memref<26x4096x252xf32, #tpu.memory_space<hbm>> -> memref<1x64x252xf32, #tpu.memory_space<hbm>>
      %dma_start3A_137 = tpu.memref_squeeze %dma_start3A_136 : memref<1x64x252xf32, #tpu.memory_space<hbm>> -> memref<64x252xf32, #tpu.memory_space<hbm>>
      tpu.enqueue_dma source(%arg9 : memref<64x252xf32, #tpu.memory_space<vmem>>) target(%dma_start3A_137 : memref<64x252xf32, #tpu.memory_space<hbm>>) target_semaphore(%arg13 : memref<!tpu.dma_semaphore, #tpu.memory_space<semaphore_mem>>)
    }
    %scan3A_13 = arith.constant 13 : i32
    %add3A_14 = arith.constant 0 : i32
    %add3A_15 = arith.addi %mul3A_2, %add3A_14 : i32
    %dma_wait3A = arith.constant 25 : i32
    %dma_wait3A_16 = arith.constant 0 : i32
    %dma_wait3A_17 = tpu.memref_slice %arg4[%dma_wait3A, %add3A_15, %dma_wait3A_16] : memref<26x4096x252xf32, #tpu.memory_space<hbm>> -> memref<1x64x252xf32, #tpu.memory_space<hbm>>
    %dma_wait3A_18 = tpu.memref_squeeze %dma_wait3A_17 : memref<1x64x252xf32, #tpu.memory_space<hbm>> -> memref<64x252xf32, #tpu.memory_space<hbm>>
    %dma_wait3A_19 = arith.constant 0 : i32
    %dma_wait3A_20 = tpu.memref_slice %arg4[%dma_wait3A, %add3A_15, %dma_wait3A_19] : memref<26x4096x252xf32, #tpu.memory_space<hbm>> -> memref<1x64x252xf32, #tpu.memory_space<hbm>>
    %dma_wait3A_21 = tpu.memref_squeeze %dma_wait3A_20 : memref<1x64x252xf32, #tpu.memory_space<hbm>> -> memref<64x252xf32, #tpu.memory_space<hbm>>
    tpu.wait_dma2 semaphore(%arg12 : memref<!tpu.dma_semaphore, #tpu.memory_space<semaphore_mem>>) src(%arg8 : memref<64x252xf32, #tpu.memory_space<vmem>>) dst(%dma_wait3A_21 : memref<64x252xf32, #tpu.memory_space<hbm>>)
    %add3A_22 = arith.constant 64 : i32
    %add3A_23 = arith.addi %mul3A_2, %add3A_22 : i32
    %dma_wait3A_24 = arith.constant 25 : i32
    %dma_wait3A_25 = arith.constant 0 : i32
    %dma_wait3A_26 = tpu.memref_slice %arg4[%dma_wait3A_24, %add3A_23, %dma_wait3A_25] : memref<26x4096x252xf32, #tpu.memory_space<hbm>> -> memref<1x64x252xf32, #tpu.memory_space<hbm>>
    %dma_wait3A_27 = tpu.memref_squeeze %dma_wait3A_26 : memref<1x64x252xf32, #tpu.memory_space<hbm>> -> memref<64x252xf32, #tpu.memory_space<hbm>>
    %dma_wait3A_28 = arith.constant 0 : i32
    %dma_wait3A_29 = tpu.memref_slice %arg4[%dma_wait3A_24, %add3A_23, %dma_wait3A_28] : memref<26x4096x252xf32, #tpu.memory_space<hbm>> -> memref<1x64x252xf32, #tpu.memory_space<hbm>>
    %dma_wait3A_30 = tpu.memref_squeeze %dma_wait3A_29 : memref<1x64x252xf32, #tpu.memory_space<hbm>> -> memref<64x252xf32, #tpu.memory_space<hbm>>
    tpu.wait_dma2 semaphore(%arg13 : memref<!tpu.dma_semaphore, #tpu.memory_space<semaphore_mem>>) src(%arg9 : memref<64x252xf32, #tpu.memory_space<vmem>>) dst(%dma_wait3A_30 : memref<64x252xf32, #tpu.memory_space<hbm>>)
    return
  }
}

</mosaic_0001>

<sc_bundles>
// kernel: kernel.3.cloned.1.call-start
scs
__scs_entry_jumppad:
0x0: {  	(pc) =	sbr.rel $0x88, $3  }
0x1: {  	(tag) =	ssettag $0x0;
	lr =	simm.s32 $0x1  }
0x2: {  	[smem:$0x3F9F] =	sst lr;
	_ =	strace $0xD0000000  }
0x3: {  	_ = 	snop  }
0x4: {  	_ = 	snop  }
0x5: {  	_ = 	snop  }
0x6: {  	_ = 	snop  }
0x7: {  	_ = 	snop  }
__scs_overlays_trampoline_lowered:
0x8: {  	[smem:$0x3FAE] =	sst s0  }
0x9: {  	[smem:$0x3FAF] =	sst s1  }
0xa: {  	[smem:$0x3FB0] =	sst s2  }
0xb: {  	[smem:$0x3FB1] =	sst s3  }
0xc: {  	[smem:$0x3FB2] =	sst s4  }
0xd: {  	[smem:$0x3FB3] =	sst s5  }
0xe: {  	[smem:$0x3FB4] =	sst s6  }
0xf: {  	[smem:$0x3FB5] =	sst s7  }
0x10: {  	[smem:$0x3FB6] =	sst s8  }
0x11: {  	[smem:$0x3FB7] =	sst s9;
	s0 =	simm.s32 @!p0 $0x0  }
0x12: {  	s1 =	sld [smem:$0x3F9D];
	s0 =	simm.s32 @p0 $0x1  }
0x13: {  	[smem:$0x3FB8] =	sst s0;
	s0 =	simm.s32 @!p1 $0x0  }
0x14: {  	s2 =	sld [smem:$0x3F9C];
	s0 =	simm.s32 @p1 $0x1  }
0x15: {  	[smem:$0x3FB9] =	sst s0;
	s0 =	simm.s32 @!p2 $0x0  }
0x16: {  	s3 =	sld [smem:$0x3FDB];
	s0 =	simm.s32 @p2 $0x1  }
0x17: {  	s4 =	simm.s32 $0x1BF5;
	[smem:$0x3FBB] =	sst s0  }
0x18: {  	s0 =	sld [smem:$0x3F9E];
	_ =	swait.ge [sflag:s4], $0x0  }
0x19: {  	s7 =	sld [smem:$0x3F9F]  }
0x1a: {  	s8 =	sadd.s32 $0xFFFFE003, lr  }
0x1b: {  	s9 =	sadd.s32 $0xFFFFFEF7, lr;
	s5 =	simm.s32 $0xFFFFFFFF;
	p2 =	slt.u32 s8, $0xFFFFF086  }
0x1c: {  	p1 =	slt.u32 s9, $0xF7A;
	s5 =	simm.s32 @!p2 $0x0  }
0x1d: {  	s5 =	simm.s32 @p1 $0x1;
	p0 =	seq.s32 s7, s2  }
0x1e: {  	s7 =	smul.u32 @!p0 $0xF7A, s2;
	p2 =	seq.s32 @!p0 s5, $0x0  }
0x1f: {  	s9 =	smul.u32 $0xF7A, s1;
	s8 =	simm.s32 @!p0 $0x1BF5;
	p2 =	por !p2, p0  }
0x20: {  	[sflag:s8] =	ssyncset.s32 @!p0 $0xFFFFF086;
	s6 =	sadd.s32 @!p0 s3, s7;
	s7 =	simm.s32 @!p0 $0x108  }
0x21: {  	s3 =	sadd.s32 s3, s9;
	s6 =	sadd.s32 @!p0 $0x88, s6;
	s7 =	simm.s32 @p2 $0x1082  }
0x22: {  	[simem:s7], [sflag:s8] =	dma.local @!p0 [hbm:s6], $0xF7A  }
0x23: {  	s9 =	sor.u32 $0xD0000000, s2;
	s6 =	simm.s32 $0x108;
	_ =	swait.ge @!p0 [sflag:s8], $0x0  }
0x24: {  	s3 =	sadd.s32 $0x88, s3;
	s6 =	simm.s32 @!p1 $0x1082;
	[sflag:s4] =	ssyncset.s32 $0xFFFFF086  }
0x25: {  	[simem:s6], [sflag:s4] =	dma.local [hbm:s3], $0xF7A  }
0x26: {  	[smem:$0x3F9F] =	sst s1;
	(tag) =	ssettag s2;
	_ =	strace s9  }
0x27: {  	s1 =	sld [smem:$0x3FAF]  }
0x28: {  	s2 =	sld [smem:$0x3FB0]  }
0x29: {  	s4 =	sld [smem:$0x3FB2]  }
0x2a: {  	p0 =	seq.s32 s5, $0x0;
	s5 =	sld [smem:$0x3FB3]  }
0x2b: {  	s6 =	sld [smem:$0x3FB4]  }
0x2c: {  	s7 =	sld [smem:$0x3FB5]  }
0x2d: {  	s3 =	simm.s32 $0x108;
	s8 =	sld [smem:$0x3FB6]  }
0x2e: {  	s3 =	simm.s32 @!p0 $0x1082;
	s9 =	sld [smem:$0x3FB7]  }
0x2f: {  	lr =	sadd.s32 s0, s3;
	s0 =	sld [smem:$0x3FAE]  }
0x30: {  	s3 =	sld [smem:$0x3FB1]  }
0x31: {  	[smem:$0x3FBA] =	sst s10  }
0x32: {  	s10 =	sld [smem:$0x3FB8];
	_ =	sdelay $0x3  }
0x33: {  	p0 =	seq.s32 s10, $0x1;
	s10 =	sld [smem:$0x3FBA];
	_ =	sdelay $0x3  }
0x34: {  	[smem:$0x3FBA] =	sst s10  }
0x35: {  	s10 =	sld [smem:$0x3FB9];
	_ =	sdelay $0x3  }
0x36: {  	p1 =	seq.s32 s10, $0x1;
	s10 =	sld [smem:$0x3FBA];
	_ =	sdelay $0x3  }
0x37: {  	[smem:$0x3FBA] =	sst s10  }
0x38: {  	s10 =	sld [smem:$0x3FBB]  }
0x39: {  	_ = 	snop;
	(pc) =	sbr.ind lr, $3  }
0x3a: {  	_ = 	snop  }
0x3b: {  	_ = 	snop  }
0x3c: {  	p2 =	seq.s32 s10, $0x1;
	s10 =	sld [smem:$0x3FBA]  }
0x3d: {  	_ =	shalt  }
0x3e: {  	_ =	shalt  }
0x3f: {  	_ =	shalt  }
0x40: {  	_ =	shalt  }
0x41: {  	_ =	shalt  }
0x42: {  	_ =	shalt  }
0x43: {  	_ =	shalt  }
0x44: {  	_ =	shalt  }
0x45: {  	_ =	shalt  }
0x46: {  	_ =	shalt  }
0x47: {  	_ =	shalt  }
0x48: {  	_ =	shalt  }
0x49: {  	_ =	shalt  }
0x4a: {  	_ =	shalt  }
0x4b: {  	_ =	shalt  }
0x4c: {  	_ =	shalt  }
0x4d: {  	_ =	shalt  }
0x4e: {  	_ =	shalt  }
0x4f: {  	_ =	shalt  }
0x50: {  	_ =	shalt  }
0x51: {  	_ =	shalt  }
0x52: {  	_ =	shalt  }
0x53: {  	_ =	shalt  }
0x54: {  	_ =	shalt  }
0x55: {  	_ =	shalt  }
0x56: {  	_ =	shalt  }
0x57: {  	_ =	shalt  }
0x58: {  	_ =	shalt  }
0x59: {  	_ =	shalt  }
0x5a: {  	_ =	shalt  }
0x5b: {  	_ =	shalt  }
0x5c: {  	_ =	shalt  }
0x5d: {  	_ =	shalt  }
0x5e: {  	_ =	shalt  }
0x5f: {  	_ =	shalt  }
0x60: {  	_ =	shalt  }
0x61: {  	_ =	shalt  }
0x62: {  	_ =	shalt  }
0x63: {  	_ =	shalt  }
0x64: {  	_ =	shalt  }
0x65: {  	_ =	shalt  }
0x66: {  	_ =	shalt  }
0x67: {  	_ =	shalt  }
0x68: {  	_ =	shalt  }
0x69: {  	_ =	shalt  }
0x6a: {  	_ =	shalt  }
0x6b: {  	_ =	shalt  }
0x6c: {  	_ =	shalt  }
0x6d: {  	_ =	shalt  }
0x6e: {  	_ =	shalt  }
0x6f: {  	_ =	shalt  }
0x70: {  	_ =	shalt  }
0x71: {  	_ =	shalt  }
0x72: {  	_ =	shalt  }
0x73: {  	_ =	shalt  }
0x74: {  	_ =	shalt  }
0x75: {  	_ =	shalt  }
0x76: {  	_ =	shalt  }
0x77: {  	_ =	shalt  }
0x78: {  	_ =	shalt  }
0x79: {  	_ =	shalt  }
0x7a: {  	_ =	shalt  }
0x7b: {  	_ =	shalt  }
0x7c: {  	_ =	shalt  }
0x7d: {  	_ =	shalt  }
0x7e: {  	_ =	shalt  }
0x7f: {  	_ =	shalt  }
0x80: {  	_ =	shalt  }
0x81: {  	_ =	shalt  }
0x82: {  	_ =	shalt  }
0x83: {  	_ =	shalt  }
0x84: {  	_ =	shalt  }
0x85: {  	_ =	shalt  }
0x86: {  	_ =	shalt  }
0x87: {  	_ =	shalt  }
.Lfunc_end0:
.L_simem_size_0:
called_computation_lowered:
.L_overlay_start_0:
0x88: {  	s2 =	sld [smem:$0x3FD9]  }
0x89: {  	s3 =	sld [smem:$0x3FFE];
	_ =	sdelay $0x1  }
0x8a: {  	s1 =	srdreg.scid  }
0x8b: {  	s0 =	sand.u32 $0x1, s1  }
0x8c: {  	s17 =	sshll.u32 s0, $0xA;
	s2 =	sadd.s32 s3, s2  }
0x8d: {  	s2 =	sadd.s32 s2, s17  }
0x8e: {  	[smem:$0x3FC6] =	sst s2  }
0x8f: {  	_ = 	snop  }
0x90: {  	s2 =	sld [smem:$0x3FC9]  }
0x91: {  	s18 =	sld [smem:$0x3FD0];
	(tm) =	ssettm $0x1  }
0x92: {  	s4 =	sld [smem:$0x3FFB];
	_ =	sdelay $0x3  }
0x93: {  	_ =	strace s4  }
0x94: {  	s4 =	sld [smem:$0x3FFC];
	_ =	sdelay $0x3  }
0x95: {  	_ =	strace s4  }
0x96: {  	s4 =	sld [smem:$0x3FFD];
	_ =	sdelay $0x3  }
0x97: {  	_ =	strace s4  }
0x98: {  	_ =	strace $0x8FFFFFFF  }
0x99: {  	s19 =	sld [smem:$0x3FDB];
	_ =	sdelay $0x1  }
0x9a: {  	s5 =	simm.s32 $_scs_section_size  }
0x9b: {  	s6 =	simm.s32 $_size__tile_overlayer_lowered;
	s7 =	simm.s32 $_tile_overlayer_lowered  }
0x9c: {  	s22 =	simm.s32 $0x1BFF;
	s21 =	sshll.u32 s7, $0x1;
	s4 =	sadd.s32 s5, s19  }
0x9d: {  	s8 =	simm.s32 $0x0;
	s20 =	sshll.u32 s6, $0x1;
	s6 =	sadd.s32 s21, s4  }
0x9e: {  	[timem:s8], [sflag:s22] =	dma.local [hbm:s6], s20  }
0x9f: {  	_ =	swait.ge [sflag:s22], s20  }
0xa0: {  	s5 =	ssub.s32 $0x0, s20;
	[sflag:s22] =	ssyncset.done $0x0  }
0xa1: {  	[sflag:s22] =	ssyncadd.s32 s5;
	_ =	sdelay $0x1  }
0xa2: {  	s23 =	simm.s32 $0x1B8B  }
0xa3: {  	_ =	swait.ge [sflag:s23], $0x1  }
0xa4: {  	[sflag:s23] =	ssyncset.done $0x0  }
0xa5: {  	s25 =	simm.s32 $0x1B8E;
	s24 =	sld [smem:$0x3FFE];
	[sflag:s23] =	ssyncadd.s32 $0xFFFFFFFF  }
0xa6: {  	s26 =	simm.s32 $execute0_lowered;
	[smem:$0x3FD2] =	sst s25  }
0xa7: {  	s6 =	sshll.u32 s26, $0x1;
	_ =	strace $0x80000046;
	[dreg:$0x1] =	wrdreg $0xFFFFFFFF  }
0xa8: {  	s28 =	simm.s32 $_size_execute0_lowered;
	s4 =	sadd.s32 s4, s6;
	[dreg:$0x0] =	wrdreg $0x0  }
0xa9: {  	s6 =	sshll.u32 s28, $0x1;
	[dreg:$0x2] =	wrdreg s4  }
0xaa: {  	[dreg:$0x3] =	wrdreg s6  }
0xab: {  	[dreg:$0x4] =	wrdreg $0xC0  }
0xac: {  	_ =	task [dreg:s8], $0x5FFFF  }
0xad: {  	[dreg:$0x1] =	wrdreg $0xFFFFFFFF  }
0xae: {  	[dreg:$0x0] =	wrdreg $0x60  }
0xaf: {  	[dreg:$0x2] =	wrdreg s2  }
0xb0: {  	[dreg:$0x3] =	wrdreg s24  }
0xb1: {  	[dreg:$0x4] =	wrdreg s18  }
0xb2: {  	[dreg:$0x5] =	wrdreg $0x9  }
0xb3: {  	_ =	task.clear_ibuf [dreg:s8], $0x6FFFF;
	_ =	strace $0x90000046  }
0xb4: {  	s29 =	simm.s32 $0x9;
	_ =	strace $0x80000048  }
0xb5: {  	_ =	swait.ge [sflag:s29], $0x1  }
0xb6: {  	[sflag:s29] =	ssyncadd.s32 $0xFFFFFFFF  }
0xb7: {  	_ =	strace $0x90000048  }
0xb8: {  	_ =	sfence  }
0xb9: {  	s30 =	sld [smem:$0x0];
	_ =	sdelay $0x2  }
0xba: {  	s31 =	sshll.u32 s1, $0xD;
	s1 =	sshrl.u32 s1, $0x2  }
0xbb: {  	s3 =	sand.u32 $0x4000, s31;
	s1 =	sadd.s32 s1, s30  }
0xbc: {  	s0 =	sor.u32 s3, s0;
	s1 =	sshll.u32 s1, $0x11  }
0xbd: {  	s0 =	sor.u32 s1, s0  }
0xbe: {  	s0 =	sadd.s32 $0x8F2B, s0  }
0xbf: {  	[sflag:s0] =	ssyncadd.remote.s32 $0x1  }
0xc0: {  	_ =	sfence.sel $0xFFFF  }
0xc1: {  	[dreg:$0x0] =	wrdreg $0xFFFFFFFF;
	(pc) =	sbr.abs _section_cstart, $3  }
0xc2: {  	[dreg:$0x1] =	wrdreg $0xFFFFFFFF  }
0xc3: {  	_ =	task.clear_ibuf [dreg:s8], $0x2FFFF;
	_ =	strace $0x9FFFFFFF  }
0xc4: {  	(tm) =	ssettm $0x7FFFFFFF  }
0xc5: {  	_ =	shalt  }
tec
execute0_lowered:
.L_overlay_start_1:
0x0: {  	(tag) =	ssettag $0x1  }
0x1: {  	s0 =	rddreg [dreg:$0x0]  }
0x2: {  	s2 =	rddreg [dreg:$0x1]  }
0x3: {  	s1 =	rddreg [dreg:$0x2];
	s3 =	simm.s32 $0x0  }
0x4: {  	s4 =	srdreg.scid;
	s6 =	stileid.u32;
	s30 =	simm.s32 $0x1  }
0x5: {  	s12 =	simm.s32 $0xB000;
	s9 =	simm.s32 $0xC000;
	s13 =	simm.s32 $0xD000  }
0x6: {  	s14 =	simm.s32 $0xD800;
	s15 =	simm.s32 $0xE000;
	s16 =	simm.s32 $0xE800  }
0x7: {  	s17 =	simm.s32 $0xF000;
	s18 =	simm.s32 $0xF800;
	s19 =	simm.s32 $0x10000  }
0x8: {  	s20 =	simm.s32 $0x10800;
	s21 =	simm.s32 $0x11000;
	s22 =	simm.s32 $0x15000  }
0x9: {  	s23 =	simm.s32 $0x2;
	s24 =	simm.s32 $0x3;
	s25 =	simm.s32 $0x4  }
0xa: {  	[smem:$0x7FF] =	sst s3;
	s4 =	sand.u32 $0x1, s4;
	s6 =	sshll.u32 s6, $0x8  }
0xb: {  	_ =	strace $0x80000047;
	s5 =	ssub.s32 $0x2, s4;
	s7 =	sshll.u32 s4, $0x7  }
0xc: {  	s4 =	sadd.s32 $0x400, s2;
	s29 =	sshrl.u32 s5, $0x1;
	s6 =	sor.u32 s7, s6  }
0xd: {  	s7 =	simm.s32 $0xB800;
	s2 =	ssub.s32 s5, s29;
	s0 =	sadd.s32 s0, s6  }
0xe: {  	v2 =	vlaneseq.u32;
	s6 =	sshll.u32 s6, $0x8;
	[dreg:$0x4] =	wrdreg s0;
	s0 =	sadd.s32 $0x3000, s0  }
0xf: {  	vm0 =	vmmov $0xffff;
	v1 =	vshrl.u32 v2, $0x3;
	s5 =	simm.s32 $0xC800;
	s31 =	smax.u32 s2, $0x1;
	[dreg:$0x5] =	wrdreg s0  }
0x10: {  	v0 =	vand.u32 $0x7, v2;
	v2 =	vor.u32 $0x8, v2;
	v1 =	vmul.u32 $0x8, v1;
	s8 =	sor.u32 $0x4000, s6;
	s2 =	simm.s32 $0x0;
	[dreg:$0x6] =	wrdreg s31  }
.LBB2_1:
0x11: {  	[dreg:$0x7] =	wrdreg s2  }
0x12: {  	s0 =	rddreg [dreg:$0x4];
	s31 =	simm.s32 $0x400;
	s10 =	simm.s32 $0x8000  }
0x13: {  	[tilespmem:s3], [sflag:$0x5] =	stream.strided.gather [hbm4b:s0+s31], $0xC00, s10, s31, $0x38;
	[tilespmem:$0x19000] =	vst v63  }
0x14: {  	s2 =	rddreg [dreg:$0x5];
	s11 =	simm.s32 $0xC00;
	s26 =	simm.s32 $0x5  }
0x15: {  	[tilespmem:s11], [sflag:$0x5] =	stream.linear.gather [hbm4b:s2+s3], $0x100, $0x38;
	[tilespmem:$0x19000] =	vst v63  }
0x16: {  	_ =	swait.ge [sflag:s26], $0xD00  }
0x17: {  	[sflag:s26] =	ssyncset.done $0x0  }
0x18: {  	[sflag:s26] =	ssyncadd.s32 $0xFFFFF300  }
0x19: {  	v3 =	vld [tilespmem:$0x0];
	_ =	sdelay $0x4  }
0x1a: {  	v4 =	vshll.u32 v3, $0x1  }
0x1b: {  	v3 =	vand.u32 $0x7, v3;
	v4 =	vand.u32 $0xFFFFFFF0, v4  }
0x1c: {  	v3 =	vor.u32 v3, v4  }
0x1d: {  	v4 =	vperm.xlane v3, v0;
	_ =	sdelay $0x1  }
0x1e: {  	v3 =	vperm.xlane v3, v2;
	v4 =	vadd.s32 v1, v4;
	_ =	sdelay $0x1  }
0x1f: {  	v3 =	vadd.s32 v1, v3;
	_ =	sdelay $0x1  }
0x20: {  	s28 =	simm.s32 $0x1000  }
0x21: {  	[tilespmem:s28], [sflag:$0x1] =	stream.indirect_vreg.gather [hbm4b:s4+s3], $0x80, v4, vm0, $0xb8;
	[tilespmem:$0x19000] =	vst v63  }
0x22: {  	s29 =	simm.s32 $0x1800  }
0x23: {  	[tilespmem:s29], [sflag:$0x1] =	stream.indirect_vreg.gather [hbm4b:s4+s3], $0x80, v3, vm0, $0xb8;
	[tilespmem:$0x19000] =	vst v63  }
0x24: {  	v3 =	vld [tilespmem:$0x10];
	_ =	sdelay $0x4  }
0x25: {  	v57 =	vshll.u32 v3, $0x1  }
0x26: {  	v3 =	vand.u32 $0x7, v3;
	v4 =	vand.u32 $0xFFFFFFF0, v57  }
0x27: {  	v3 =	vor.u32 v3, v4  }
0x28: {  	v4 =	vperm.xlane v3, v0;
	_ =	sdelay $0x1  }
0x29: {  	v3 =	vperm.xlane v3, v2;
	v4 =	vadd.s32 v1, v4;
	_ =	sdelay $0x1  }
0x2a: {  	v3 =	vadd.s32 v1, v3;
	_ =	sdelay $0x1  }
0x2b: {  	s31 =	simm.s32 $0x2000  }
0x2c: {  	[tilespmem:s31], [sflag:$0x1] =	stream.indirect_vreg.gather [hbm4b:s4+s3], $0x80, v4, vm0, $0xb8;
	[tilespmem:$0x19000] =	vst v63  }
0x2d: {  	s2 =	simm.s32 $0x2800  }
0x2e: {  	[tilespmem:s2], [sflag:$0x1] =	stream.indirect_vreg.gather [hbm4b:s4+s3], $0x80, v3, vm0, $0xb8;
	[tilespmem:$0x19000] =	vst v63  }
0x2f: {  	v3 =	vld [tilespmem:$0x20];
	_ =	sdelay $0x4  }
0x30: {  	v58 =	vshll.u32 v3, $0x1  }
0x31: {  	v3 =	vand.u32 $0x7, v3;
	v4 =	vand.u32 $0xFFFFFFF0, v58  }
0x32: {  	v3 =	vor.u32 v3, v4  }
0x33: {  	v4 =	vperm.xlane v3, v0;
	_ =	sdelay $0x1  }
0x34: {  	v3 =	vperm.xlane v3, v2;
	v4 =	vadd.s32 v1, v4;
	_ =	sdelay $0x1  }
0x35: {  	v3 =	vadd.s32 v1, v3;
	_ =	sdelay $0x1  }
0x36: {  	s11 =	simm.s32 $0x3000  }
0x37: {  	[tilespmem:s11], [sflag:$0x1] =	stream.indirect_vreg.gather [hbm4b:s4+s3], $0x80, v4, vm0, $0xb8;
	[tilespmem:$0x19000] =	vst v63  }
0x38: {  	s26 =	simm.s32 $0x3800  }
0x39: {  	[tilespmem:s26], [sflag:$0x1] =	stream.indirect_vreg.gather [hbm4b:s4+s3], $0x80, v3, vm0, $0xb8;
	[tilespmem:$0x19000] =	vst v63  }
0x3a: {  	v3 =	vld [tilespmem:$0x30];
	_ =	sdelay $0x4  }
0x3b: {  	v59 =	vshll.u32 v3, $0x1  }
0x3c: {  	v3 =	vand.u32 $0x7, v3;
	v4 =	vand.u32 $0xFFFFFFF0, v59  }
0x3d: {  	v3 =	vor.u32 v3, v4  }
0x3e: {  	v4 =	vperm.xlane v3, v0;
	_ =	sdelay $0x1  }
0x3f: {  	v3 =	vperm.xlane v3, v2;
	v4 =	vadd.s32 v1, v4;
	_ =	sdelay $0x1  }
0x40: {  	v3 =	vadd.s32 v1, v3;
	_ =	sdelay $0x1  }
0x41: {  	s28 =	simm.s32 $0x4000  }
0x42: {  	[tilespmem:s28], [sflag:$0x1] =	stream.indirect_vreg.gather [hbm4b:s4+s3], $0x80, v4, vm0, $0xb8;
	[tilespmem:$0x19000] =	vst v63  }
0x43: {  	s29 =	simm.s32 $0x4800  }
0x44: {  	[tilespmem:s29], [sflag:$0x1] =	stream.indirect_vreg.gather [hbm4b:s4+s3], $0x80, v3, vm0, $0xb8;
	[tilespmem:$0x19000] =	vst v63  }
0x45: {  	v3 =	vld [tilespmem:$0x40];
	_ =	sdelay $0x4  }
0x46: {  	v60 =	vshll.u32 v3, $0x1  }
0x47: {  	v3 =	vand.u32 $0x7, v3;
	v4 =	vand.u32 $0xFFFFFFF0, v60  }
0x48: {  	v3 =	vor.u32 v3, v4  }
0x49: {  	v4 =	vperm.xlane v3, v0;
	_ =	sdelay $0x1  }
0x4a: {  	v3 =	vperm.xlane v3, v2;
	v4 =	vadd.s32 v1, v4;
	_ =	sdelay $0x1  }
0x4b: {  	v3 =	vadd.s32 v1, v3;
	_ =	sdelay $0x1  }
0x4c: {  	s31 =	simm.s32 $0x5000  }
0x4d: {  	[tilespmem:s31], [sflag:$0x1] =	stream.indirect_vreg.gather [hbm4b:s4+s3], $0x80, v4, vm0, $0xb8;
	[tilespmem:$0x19000] =	vst v63  }
0x4e: {  	s2 =	simm.s32 $0x5800  }
0x4f: {  	[tilespmem:s2], [sflag:$0x1] =	stream.indirect_vreg.gather [hbm4b:s4+s3], $0x80, v3, vm0, $0xb8;
	[tilespmem:$0x19000] =	vst v63  }
0x50: {  	v3 =	vld [tilespmem:$0x50];
	_ =	sdelay $0x4  }
0x51: {  	v61 =	vshll.u32 v3, $0x1  }
0x52: {  	v3 =	vand.u32 $0x7, v3;
	v4 =	vand.u32 $0xFFFFFFF0, v61  }
0x53: {  	v3 =	vor.u32 v3, v4  }
0x54: {  	v4 =	vperm.xlane v3, v0;
	_ =	sdelay $0x1  }
0x55: {  	v3 =	vperm.xlane v3, v2;
	v4 =	vadd.s32 v1, v4;
	_ =	sdelay $0x1  }
0x56: {  	v3 =	vadd.s32 v1, v3;
	_ =	sdelay $0x1  }
0x57: {  	s11 =	simm.s32 $0x6000  }
0x58: {  	[tilespmem:s11], [sflag:$0x1] =	stream.indirect_vreg.gather [hbm4b:s4+s3], $0x80, v4, vm0, $0xb8;
	[tilespmem:$0x19000] =	vst v63  }
0x59: {  	s26 =	simm.s32 $0x6800  }
0x5a: {  	[tilespmem:s26], [sflag:$0x1] =	stream.indirect_vreg.gather [hbm4b:s4+s3], $0x80, v3, vm0, $0xb8;
	[tilespmem:$0x19000] =	vst v63  }
0x5b: {  	v3 =	vld [tilespmem:$0x60];
	_ =	sdelay $0x4  }
0x5c: {  	v62 =	vshll.u32 v3, $0x1  }
0x5d: {  	v3 =	vand.u32 $0x7, v3;
	v4 =	vand.u32 $0xFFFFFFF0, v62  }
0x5e: {  	v3 =	vor.u32 v3, v4  }
0x5f: {  	v4 =	vperm.xlane v3, v0;
	_ =	sdelay $0x1  }
0x60: {  	v3 =	vperm.xlane v3, v2;
	v4 =	vadd.s32 v1, v4;
	_ =	sdelay $0x1  }
0x61: {  	v3 =	vadd.s32 v1, v3;
	_ =	sdelay $0x1  }
0x62: {  	s28 =	simm.s32 $0x7000  }
0x63: {  	[tilespmem:s28], [sflag:$0x1] =	stream.indirect_vreg.gather [hbm4b:s4+s3], $0x80, v4, vm0, $0xb8;
	[tilespmem:$0x19000] =	vst v63  }
0x64: {  	s29 =	simm.s32 $0x7800  }
0x65: {  	[tilespmem:s29], [sflag:$0x1] =	stream.indirect_vreg.gather [hbm4b:s4+s3], $0x80, v3, vm0, $0xb8;
	[tilespmem:$0x19000] =	vst v63  }
0x66: {  	v3 =	vld [tilespmem:$0x70];
	_ =	sdelay $0x4  }
0x67: {  	v63 =	vshll.u32 v3, $0x1  }
0x68: {  	v3 =	vand.u32 $0x7, v3;
	v4 =	vand.u32 $0xFFFFFFF0, v63  }
0x69: {  	v3 =	vor.u32 v3, v4  }
0x6a: {  	v4 =	vperm.xlane v3, v0;
	_ =	sdelay $0x1  }
0x6b: {  	v3 =	vperm.xlane v3, v2;
	v4 =	vadd.s32 v1, v4;
	_ =	sdelay $0x1  }
0x6c: {  	v3 =	vadd.s32 v1, v3;
	_ =	sdelay $0x2  }
0x6d: {  	[tilespmem:s10], [sflag:$0x1] =	stream.indirect_vreg.gather [hbm4b:s4+s3], $0x80, v4, vm0, $0xb8;
	[tilespmem:$0x19000] =	vst v63  }
0x6e: {  	s31 =	simm.s32 $0x8800;
	s26 =	simm.s32 $0x0  }
0x6f: {  	[tilespmem:s31], [sflag:$0x1] =	stream.indirect_vreg.gather [hbm4b:s4+s3], $0x80, v3, vm0, $0xb8;
	[tilespmem:$0x19000] =	vst v63  }
.LBB2_2:
0x70: {  	_ =	swait.ge [sflag:s30], $0x8000;
	s28 =	sshllo.u32 s26, $0x1  }
0x71: {  	[sflag:s30] =	ssyncset.done $0x0;
	s0 =	sshll.u32 s28, $0x7  }
0x72: {  	[sflag:s30] =	ssyncadd.s32 $0xFFFF8000;
	s11 =	sand.u32 $0x3FFFFF80, s0  }
0x73: {  	v3 =	vld [tilespmem:s11+$0x0];
	_ =	sdelay $0x4  }
0x74: {  	v4 =	vshll.u32 v3, $0x1  }
0x75: {  	v3 =	vand.u32 $0x7, v3;
	v4 =	vand.u32 $0xFFFFFFF0, v4  }
0x76: {  	v3 =	vor.u32 v3, v4  }
0x77: {  	v4 =	vperm.xlane v3, v0;
	_ =	sdelay $0x1  }
0x78: {  	v3 =	vperm.xlane v3, v2;
	v4 =	vadd.s32 v1, v4;
	_ =	sdelay $0x1  }
0x79: {  	v3 =	vadd.s32 v1, v3;
	_ =	sdelay $0x1  }
0x7a: {  	s10 =	simm.s32 $0x9000  }
0x7b: {  	[tilespmem:s10], [sflag:$0x2] =	stream.indirect_vreg.gather [hbm4b:s4+s3], $0x80, v4, vm0, $0xb8;
	[tilespmem:$0x19000] =	vst v63  }
0x7c: {  	s2 =	simm.s32 $0x9800  }
0x7d: {  	[tilespmem:s2], [sflag:$0x2] =	stream.indirect_vreg.gather [hbm4b:s4+s3], $0x80, v3, vm0, $0xb8;
	[tilespmem:$0x19000] =	vst v63  }
0x7e: {  	v3 =	vld [tilespmem:s11+$0x10];
	_ =	sdelay $0x4  }
0x7f: {  	v4 =	vshll.u32 v3, $0x1  }
0x80: {  	v3 =	vand.u32 $0x7, v3;
	v4 =	vand.u32 $0xFFFFFFF0, v4  }
0x81: {  	v3 =	vor.u32 v3, v4  }
0x82: {  	v4 =	vperm.xlane v3, v0;
	_ =	sdelay $0x1  }
0x83: {  	v3 =	vperm.xlane v3, v2;
	v4 =	vadd.s32 v1, v4;
	_ =	sdelay $0x1  }
0x84: {  	v3 =	vadd.s32 v1, v3;
	_ =	sdelay $0x1  }
0x85: {  	s10 =	simm.s32 $0xA000  }
0x86: {  	[tilespmem:s10], [sflag:$0x2] =	stream.indirect_vreg.gather [hbm4b:s4+s3], $0x80, v4, vm0, $0xb8;
	[tilespmem:$0x19000] =	vst v63  }
0x87: {  	s2 =	simm.s32 $0xA800  }
0x88: {  	[tilespmem:s2], [sflag:$0x2] =	stream.indirect_vreg.gather [hbm4b:s4+s3], $0x80, v3, vm0, $0xb8;
	[tilespmem:$0x19000] =	vst v63  }
0x89: {  	v3 =	vld [tilespmem:s11+$0x20];
	_ =	sdelay $0x4  }
0x8a: {  	v4 =	vshll.u32 v3, $0x1  }
0x8b: {  	v3 =	vand.u32 $0x7, v3;
	v4 =	vand.u32 $0xFFFFFFF0, v4  }
0x8c: {  	v3 =	vor.u32 v3, v4  }
0x8d: {  	v4 =	vperm.xlane v3, v0;
	_ =	sdelay $0x1  }
0x8e: {  	v3 =	vperm.xlane v3, v2;
	v4 =	vadd.s32 v1, v4;
	_ =	sdelay $0x1  }
0x8f: {  	v3 =	vadd.s32 v1, v3;
	_ =	sdelay $0x2  }
0x90: {  	[tilespmem:s12], [sflag:$0x2] =	stream.indirect_vreg.gather [hbm4b:s4+s3], $0x80, v4, vm0, $0xb8;
	[tilespmem:$0x19000] =	vst v63  }
0x91: {  	_ = 	snop  }
0x92: {  	[tilespmem:s7], [sflag:$0x2] =	stream.indirect_vreg.gather [hbm4b:s4+s3], $0x80, v3, vm0, $0xb8;
	[tilespmem:$0x19000] =	vst v63  }
0x93: {  	v3 =	vld [tilespmem:s11+$0x30];
	_ =	sdelay $0x4  }
0x94: {  	v4 =	vshll.u32 v3, $0x1  }
0x95: {  	v3 =	vand.u32 $0x7, v3;
	v4 =	vand.u32 $0xFFFFFFF0, v4  }
0x96: {  	v3 =	vor.u32 v3, v4  }
0x97: {  	v4 =	vperm.xlane v3, v0;
	_ =	sdelay $0x1  }
0x98: {  	v3 =	vperm.xlane v3, v2;
	v4 =	vadd.s32 v1, v4;
	_ =	sdelay $0x1  }
0x99: {  	v3 =	vadd.s32 v1, v3;
	_ =	sdelay $0x2  }
0x9a: {  	[tilespmem:s9], [sflag:$0x2] =	stream.indirect_vreg.gather [hbm4b:s4+s3], $0x80, v4, vm0, $0xb8;
	[tilespmem:$0x19000] =	vst v63  }
0x9b: {  	_ = 	snop  }
0x9c: {  	[tilespmem:s5], [sflag:$0x2] =	stream.indirect_vreg.gather [hbm4b:s4+s3], $0x80, v3, vm0, $0xb8;
	[tilespmem:$0x19000] =	vst v63  }
0x9d: {  	v3 =	vld [tilespmem:s11+$0x40];
	_ =	sdelay $0x4  }
0x9e: {  	v4 =	vshll.u32 v3, $0x1  }
0x9f: {  	v3 =	vand.u32 $0x7, v3;
	v4 =	vand.u32 $0xFFFFFFF0, v4  }
0xa0: {  	v3 =	vor.u32 v3, v4  }
0xa1: {  	v4 =	vperm.xlane v3, v0;
	_ =	sdelay $0x1  }
0xa2: {  	v3 =	vperm.xlane v3, v2;
	v4 =	vadd.s32 v1, v4;
	_ =	sdelay $0x1  }
0xa3: {  	v3 =	vadd.s32 v1, v3;
	_ =	sdelay $0x2  }
0xa4: {  	[tilespmem:s13], [sflag:$0x2] =	stream.indirect_vreg.gather [hbm4b:s4+s3], $0x80, v4, vm0, $0xb8;
	[tilespmem:$0x19000] =	vst v63  }
0xa5: {  	_ = 	snop  }
0xa6: {  	[tilespmem:s14], [sflag:$0x2] =	stream.indirect_vreg.gather [hbm4b:s4+s3], $0x80, v3, vm0, $0xb8;
	[tilespmem:$0x19000] =	vst v63  }
0xa7: {  	v3 =	vld [tilespmem:s11+$0x50];
	_ =	sdelay $0x4  }
0xa8: {  	v4 =	vshll.u32 v3, $0x1  }
0xa9: {  	v3 =	vand.u32 $0x7, v3;
	v4 =	vand.u32 $0xFFFFFFF0, v4  }
0xaa: {  	v3 =	vor.u32 v3, v4  }
0xab: {  	v4 =	vperm.xlane v3, v0;
	_ =	sdelay $0x1  }
0xac: {  	v3 =	vperm.xlane v3, v2;
	v4 =	vadd.s32 v1, v4;
	_ =	sdelay $0x1  }
0xad: {  	v3 =	vadd.s32 v1, v3;
	_ =	sdelay $0x2  }
0xae: {  	[tilespmem:s15], [sflag:$0x2] =	stream.indirect_vreg.gather [hbm4b:s4+s3], $0x80, v4, vm0, $0xb8;
	[tilespmem:$0x19000] =	vst v63  }
0xaf: {  	_ = 	snop  }
0xb0: {  	[tilespmem:s16], [sflag:$0x2] =	stream.indirect_vreg.gather [hbm4b:s4+s3], $0x80, v3, vm0, $0xb8;
	[tilespmem:$0x19000] =	vst v63  }
0xb1: {  	v3 =	vld [tilespmem:s11+$0x60];
	_ =	sdelay $0x4  }
0xb2: {  	v4 =	vshll.u32 v3, $0x1  }
0xb3: {  	v3 =	vand.u32 $0x7, v3;
	v4 =	vand.u32 $0xFFFFFFF0, v4  }
0xb4: {  	v3 =	vor.u32 v3, v4  }
0xb5: {  	v4 =	vperm.xlane v3, v0;
	_ =	sdelay $0x1  }
0xb6: {  	v3 =	vperm.xlane v3, v2;
	v4 =	vadd.s32 v1, v4;
	_ =	sdelay $0x1  }
0xb7: {  	v3 =	vadd.s32 v1, v3;
	_ =	sdelay $0x2  }
0xb8: {  	[tilespmem:s17], [sflag:$0x2] =	stream.indirect_vreg.gather [hbm4b:s4+s3], $0x80, v4, vm0, $0xb8;
	[tilespmem:$0x19000] =	vst v63  }
0xb9: {  	_ = 	snop  }
0xba: {  	[tilespmem:s18], [sflag:$0x2] =	stream.indirect_vreg.gather [hbm4b:s4+s3], $0x80, v3, vm0, $0xb8;
	[tilespmem:$0x19000] =	vst v63  }
0xbb: {  	v3 =	vld [tilespmem:s11+$0x70];
	_ =	sdelay $0x4  }
0xbc: {  	v4 =	vshll.u32 v3, $0x1  }
0xbd: {  	v3 =	vand.u32 $0x7, v3;
	v4 =	vand.u32 $0xFFFFFFF0, v4  }
0xbe: {  	v3 =	vor.u32 v3, v4  }
0xbf: {  	v4 =	vperm.xlane v3, v0;
	_ =	sdelay $0x1  }
0xc0: {  	v3 =	vperm.xlane v3, v2;
	v4 =	vadd.s32 v1, v4;
	_ =	sdelay $0x1  }
0xc1: {  	v3 =	vadd.s32 v1, v3;
	_ =	sdelay $0x1  }
0xc2: {  	p0 =	seq.s32 s26, $0x0  }
0xc3: {  	[tilespmem:s19], [sflag:$0x2] =	stream.indirect_vreg.gather [hbm4b:s4+s3], $0x80, v4, vm0, $0xb8;
	[tilespmem:$0x19000] =	vst v63  }
0xc4: {  	s0 =	simm.s32 @!p0 $0x3  }
0xc5: {  	[tilespmem:s20], [sflag:$0x2] =	stream.indirect_vreg.gather [hbm4b:s4+s3], $0x80, v3, vm0, $0xb8;
	[tilespmem:$0x19000] =	vst v63  }
0xc6: {  	s2 =	simm.s32 $0x0;
	_ =	swait.ge @!p0 [sflag:s0], $0x4000  }
0xc7: {  	s10 =	sand.u32 $0x3800, s2;
	s2 =	sand.u32 $0x380, s2;
	[sflag:s0] =	ssyncset.done @!p0 $0x0  }
0xc8: {  	s29 =	sor.u32 s2, s10;
	[sflag:s0] =	ssyncadd.s32 @!p0 $0xFFFFC000  }
0xc9: {  	v3 =	vld.msk [tilespmem:s29+$0x1470], $0xfff  }
0xca: {  	v4 =	vld [tilespmem:s29+$0x1000]  }
0xcb: {  	v5 =	vld [tilespmem:s29+$0x1010]  }
0xcc: {  	v6 =	vld [tilespmem:s29+$0x1020]  }
0xcd: {  	v7 =	vld [tilespmem:s29+$0x1030]  }
0xce: {  	v8 =	vld [tilespmem:s29+$0x1040];
	[tilespmem:s29+$0x11470] =	vst.msk $0xfff, v3  }
0xcf: {  	[tilespmem:s29+$0x11000] =	vst v4;
	v3 =	vld [tilespmem:s29+$0x1050]  }
0xd0: {  	[tilespmem:s29+$0x11010] =	vst v5;
	v4 =	vld [tilespmem:s29+$0x1060]  }
0xd1: {  	[tilespmem:s29+$0x11020] =	vst v6;
	v5 =	vld [tilespmem:s29+$0x1070]  }
0xd2: {  	[tilespmem:s29+$0x11030] =	vst v7;
	v7 =	vld [tilespmem:s29+$0x1400]  }
0xd3: {  	[tilespmem:s29+$0x11040] =	vst v8;
	v6 =	vld [tilespmem:s29+$0x1410]  }
0xd4: {  	[tilespmem:s29+$0x11050] =	vst v3;
	v3 =	vld [tilespmem:s29+$0x1420]  }
0xd5: {  	[tilespmem:s29+$0x11060] =	vst v4;
	v4 =	vld [tilespmem:s29+$0x1430]  }
0xd6: {  	s10 =	simm.s32 $0x100;
	s11 =	simm.s32 $0x80;
	[tilespmem:s29+$0x11070] =	vst v5;
	v5 =	vld [tilespmem:s29+$0x1440]  }
0xd7: {  	s31 =	simm.s32 $0x200;
	s2 =	sand.u32 $0x380, s11;
	s0 =	sand.u32 $0x3800, s10;
	[tilespmem:s29+$0x11400] =	vst v7;
	v7 =	vld [tilespmem:s29+$0x1450]  }
.LBB2_3:
0xd8: {  	p1 =	sne.s32 s31, $0x3F00;
	s0 =	sor.u32 s2, s0;
	[tilespmem:s29+$0x11410] =	vst v6;
	v6 =	vld [tilespmem:s29+$0x1460]  }
0xd9: {  	v8 =	vld.msk [tilespmem:s0+$0x1470], $0xfff;
	[tilespmem:s29+$0x11420] =	vst v3  }
0xda: {  	v3 =	vld [tilespmem:s0+$0x1000];
	[tilespmem:s29+$0x11430] =	vst v4  }
0xdb: {  	v4 =	vld [tilespmem:s0+$0x1010];
	[tilespmem:s29+$0x11440] =	vst v5  }
0xdc: {  	v5 =	vld [tilespmem:s0+$0x1020];
	[tilespmem:s29+$0x11450] =	vst v7  }
0xdd: {  	v7 =	vld [tilespmem:s0+$0x1030];
	[tilespmem:s29+$0x11460] =	vst v6;
	s29 =	smov.u32 s0  }
0xde: {  	v6 =	vld [tilespmem:s29+$0x1040];
	[tilespmem:s29+$0x11470] =	vst.msk $0xfff, v8  }
0xdf: {  	[tilespmem:s29+$0x11000] =	vst v3;
	v3 =	vld [tilespmem:s29+$0x1050]  }
0xe0: {  	[tilespmem:s29+$0x11010] =	vst v4;
	v4 =	vld [tilespmem:s29+$0x1060]  }
0xe1: {  	[tilespmem:s29+$0x11020] =	vst v5;
	v5 =	vld [tilespmem:s29+$0x1070]  }
0xe2: {  	[tilespmem:s29+$0x11030] =	vst v7;
	v7 =	vld [tilespmem:s29+$0x1400]  }
.Ltmp0:
0xe3: {  	[tilespmem:s29+$0x11040] =	vst v6;
	v6 =	vld [tilespmem:s29+$0x1410];
	(pc) =	sbr.rel @p1 .LBB2_3-.Ltmp0, $4  }
0xe4: {  	[tilespmem:s29+$0x11050] =	vst v3;
	v3 =	vld [tilespmem:s29+$0x1420]  }
0xe5: {  	[tilespmem:s29+$0x11060] =	vst v4;
	v4 =	vld [tilespmem:s29+$0x1430]  }
0xe6: {  	s11 =	sadd.s32 $0x80, s11;
	[tilespmem:s29+$0x11070] =	vst v5;
	v5 =	vld [tilespmem:s29+$0x1440]  }
0xe7: {  	s2 =	sand.u32 $0x380, s11;
	s0 =	sand.u32 $0x3800, s31;
	s31 =	sadd.s32 $0x100, s31;
	[tilespmem:s29+$0x11400] =	vst v7;
	v7 =	vld [tilespmem:s29+$0x1450]  }
0xe8: {  	[tilespmem:s29+$0x11410] =	vst v6;
	s0 =	sor.u32 s2, s0;
	v6 =	vld [tilespmem:s29+$0x1460]  }
0xe9: {  	v8 =	vld.msk [tilespmem:s0+$0x1470], $0xfff;
	[tilespmem:s29+$0x11420] =	vst v3  }
0xea: {  	v3 =	vld [tilespmem:s0+$0x1000];
	[tilespmem:s29+$0x11430] =	vst v4  }
0xeb: {  	v4 =	vld [tilespmem:s0+$0x1010];
	[tilespmem:s29+$0x11440] =	vst v5  }
0xec: {  	v5 =	vld [tilespmem:s0+$0x1020];
	[tilespmem:s29+$0x11450] =	vst v7  }
0xed: {  	v7 =	vld [tilespmem:s0+$0x1030];
	[tilespmem:s29+$0x11460] =	vst v6  }
0xee: {  	v6 =	vld [tilespmem:s0+$0x1040];
	[tilespmem:s0+$0x11470] =	vst.msk $0xfff, v8  }
0xef: {  	[tilespmem:s0+$0x11000] =	vst v3;
	v3 =	vld [tilespmem:s0+$0x1050]  }
0xf0: {  	[tilespmem:s0+$0x11010] =	vst v4;
	v4 =	vld [tilespmem:s0+$0x1060]  }
0xf1: {  	[tilespmem:s0+$0x11020] =	vst v5;
	v5 =	vld [tilespmem:s0+$0x1070]  }
0xf2: {  	[tilespmem:s0+$0x11030] =	vst v7;
	v7 =	vld [tilespmem:s0+$0x1400]  }
0xf3: {  	[tilespmem:s0+$0x11040] =	vst v6;
	v6 =	vld [tilespmem:s0+$0x1410]  }
0xf4: {  	[tilespmem:s0+$0x11050] =	vst v3;
	v3 =	vld [tilespmem:s0+$0x1420]  }
0xf5: {  	[tilespmem:s0+$0x11060] =	vst v4;
	v4 =	vld [tilespmem:s0+$0x1430]  }
0xf6: {  	[tilespmem:s0+$0x11070] =	vst v5;
	v5 =	vld [tilespmem:s0+$0x1440]  }
0xf7: {  	[tilespmem:s0+$0x11400] =	vst v7;
	v7 =	vld [tilespmem:s0+$0x1450]  }
0xf8: {  	[tilespmem:s0+$0x11410] =	vst v6;
	v6 =	vld [tilespmem:s0+$0x1460]  }
0xf9: {  	[tilespmem:s0+$0x11420] =	vst v3  }
0xfa: {  	s29 =	sshll.u32 s26, $0x15;
	[tilespmem:s0+$0x11430] =	vst v4  }
0xfb: {  	s11 =	sor.u32 s6, s29;
	[tilespmem:s0+$0x11440] =	vst v5  }
0xfc: {  	s2 =	sshrl.u32 s11, $0x3;
	[tilespmem:s0+$0x11450] =	vst v7  }
0xfd: {  	s10 =	sadd.s32 s1, s2;
	[tilespmem:s0+$0x11460] =	vst v6;
	s0 =	simm.s32 @!p0 $0x4  }
0xfe: {  	[hbm4b:s10+s3] =	stream.linear.scatter [tilespmem:s21], [sflag:$0x3], $0x4000, $0x38;
	[tilespmem:$0x19000] =	vst v63  }
0xff: {  	s11 =	simm.s32 $0x0;
	_ =	swait.ge @!p0 [sflag:s0], $0x4000  }
0x100: {  	s2 =	sand.u32 $0x380, s11;
	s10 =	sand.u32 $0x3800, s11;
	[sflag:s0] =	ssyncset.done @!p0 $0x0  }
0x101: {  	s11 =	sor.u32 s2, s10;
	[sflag:s0] =	ssyncadd.s32 @!p0 $0xFFFFC000  }
0x102: {  	v3 =	vld.msk [tilespmem:s11+$0x5470], $0xfff  }
0x103: {  	v4 =	vld [tilespmem:s11+$0x5000]  }
0x104: {  	v5 =	vld [tilespmem:s11+$0x5010]  }
0x105: {  	v6 =	vld [tilespmem:s11+$0x5020]  }
0x106: {  	v7 =	vld [tilespmem:s11+$0x5030]  }
0x107: {  	v8 =	vld [tilespmem:s11+$0x5040];
	[tilespmem:s11+$0x15470] =	vst.msk $0xfff, v3  }
0x108: {  	[tilespmem:s11+$0x15000] =	vst v4;
	v3 =	vld [tilespmem:s11+$0x5050]  }
0x109: {  	[tilespmem:s11+$0x15010] =	vst v5;
	v4 =	vld [tilespmem:s11+$0x5060]  }
0x10a: {  	[tilespmem:s11+$0x15020] =	vst v6;
	v5 =	vld [tilespmem:s11+$0x5070]  }
0x10b: {  	[tilespmem:s11+$0x15030] =	vst v7;
	v7 =	vld [tilespmem:s11+$0x5400]  }
0x10c: {  	[tilespmem:s11+$0x15040] =	vst v8;
	v6 =	vld [tilespmem:s11+$0x5410]  }
0x10d: {  	[tilespmem:s11+$0x15050] =	vst v3;
	v3 =	vld [tilespmem:s11+$0x5420]  }
0x10e: {  	[tilespmem:s11+$0x15060] =	vst v4;
	v4 =	vld [tilespmem:s11+$0x5430]  }
0x10f: {  	s31 =	simm.s32 $0x80;
	s10 =	simm.s32 $0x100;
	[tilespmem:s11+$0x15070] =	vst v5;
	v5 =	vld [tilespmem:s11+$0x5440]  }
0x110: {  	s2 =	sand.u32 $0x3800, s10;
	s10 =	sand.u32 $0x380, s31;
	s0 =	simm.s32 $0x200;
	[tilespmem:s11+$0x15400] =	vst v7;
	v7 =	vld [tilespmem:s11+$0x5450]  }
.LBB2_5:
0x111: {  	p0 =	sne.s32 s0, $0x3F00;
	s2 =	sor.u32 s10, s2;
	[tilespmem:s11+$0x15410] =	vst v6;
	v6 =	vld [tilespmem:s11+$0x5460]  }
0x112: {  	v8 =	vld.msk [tilespmem:s2+$0x5470], $0xfff;
	[tilespmem:s11+$0x15420] =	vst v3  }
0x113: {  	v3 =	vld [tilespmem:s2+$0x5000];
	[tilespmem:s11+$0x15430] =	vst v4  }
0x114: {  	v4 =	vld [tilespmem:s2+$0x5010];
	[tilespmem:s11+$0x15440] =	vst v5  }
0x115: {  	v5 =	vld [tilespmem:s2+$0x5020];
	[tilespmem:s11+$0x15450] =	vst v7  }
0x116: {  	v7 =	vld [tilespmem:s2+$0x5030];
	[tilespmem:s11+$0x15460] =	vst v6;
	s11 =	smov.u32 s2  }
0x117: {  	v6 =	vld [tilespmem:s11+$0x5040];
	[tilespmem:s11+$0x15470] =	vst.msk $0xfff, v8  }
0x118: {  	[tilespmem:s11+$0x15000] =	vst v3;
	v3 =	vld [tilespmem:s11+$0x5050]  }
0x119: {  	[tilespmem:s11+$0x15010] =	vst v4;
	v4 =	vld [tilespmem:s11+$0x5060]  }
0x11a: {  	[tilespmem:s11+$0x15020] =	vst v5;
	v5 =	vld [tilespmem:s11+$0x5070]  }
0x11b: {  	[tilespmem:s11+$0x15030] =	vst v7;
	v7 =	vld [tilespmem:s11+$0x5400]  }
.Ltmp1:
0x11c: {  	[tilespmem:s11+$0x15040] =	vst v6;
	v6 =	vld [tilespmem:s11+$0x5410];
	(pc) =	sbr.rel @p0 .LBB2_5-.Ltmp1, $4  }
0x11d: {  	[tilespmem:s11+$0x15050] =	vst v3;
	v3 =	vld [tilespmem:s11+$0x5420]  }
0x11e: {  	[tilespmem:s11+$0x15060] =	vst v4;
	v4 =	vld [tilespmem:s11+$0x5430]  }
0x11f: {  	s31 =	sadd.s32 $0x80, s31;
	[tilespmem:s11+$0x15070] =	vst v5;
	v5 =	vld [tilespmem:s11+$0x5440]  }
0x120: {  	s10 =	sand.u32 $0x380, s31;
	s2 =	sand.u32 $0x3800, s0;
	s0 =	sadd.s32 $0x100, s0;
	[tilespmem:s11+$0x15400] =	vst v7;
	v7 =	vld [tilespmem:s11+$0x5450]  }
0x121: {  	[tilespmem:s11+$0x15410] =	vst v6;
	s0 =	sor.u32 s10, s2;
	v55 =	vld [tilespmem:s11+$0x5460]  }
0x122: {  	v8 =	vld.msk [tilespmem:s0+$0x5470], $0xfff;
	[tilespmem:s11+$0x15420] =	vst v3  }
0x123: {  	v3 =	vld [tilespmem:s0+$0x5000];
	[tilespmem:s11+$0x15430] =	vst v4  }
0x124: {  	v4 =	vld [tilespmem:s0+$0x5010];
	[tilespmem:s11+$0x15440] =	vst v5  }
0x125: {  	v5 =	vld [tilespmem:s0+$0x5020];
	[tilespmem:s11+$0x15450] =	vst v7  }
0x126: {  	v7 =	vld [tilespmem:s0+$0x5030];
	[tilespmem:s11+$0x15460] =	vst v55  }
0x127: {  	v6 =	vld [tilespmem:s0+$0x5040];
	[tilespmem:s0+$0x15470] =	vst.msk $0xfff, v8  }
0x128: {  	v56 =	vld [tilespmem:s0+$0x5060];
	[tilespmem:s0+$0x15000] =	vst v3  }
0x129: {  	v57 =	vld [tilespmem:s0+$0x5070];
	[tilespmem:s0+$0x15010] =	vst v4  }
0x12a: {  	v58 =	vld [tilespmem:s0+$0x5400];
	[tilespmem:s0+$0x15020] =	vst v5  }
0x12b: {  	v59 =	vld [tilespmem:s0+$0x5410];
	[tilespmem:s0+$0x15030] =	vst v7  }
0x12c: {  	v3 =	vld [tilespmem:s0+$0x5050];
	[tilespmem:s0+$0x15040] =	vst v6  }
0x12d: {  	v60 =	vld [tilespmem:s0+$0x5430];
	[tilespmem:s0+$0x15060] =	vst v56  }
0x12e: {  	v61 =	vld [tilespmem:s0+$0x5440];
	[tilespmem:s0+$0x15070] =	vst v57  }
0x12f: {  	v62 =	vld [tilespmem:s0+$0x5450];
	[tilespmem:s0+$0x15400] =	vst v58  }
0x130: {  	v63 =	vld [tilespmem:s0+$0x5460];
	[tilespmem:s0+$0x15410] =	vst v59  }
0x131: {  	[tilespmem:s0+$0x15050] =	vst v3;
	v3 =	vld [tilespmem:s0+$0x5420]  }
0x132: {  	p0 =	seq.s32 s26, $0xC;
	[tilespmem:s0+$0x15430] =	vst v60  }
.Ltmp2:
0x133: {  	[tilespmem:s0+$0x15440] =	vst v61;
	(pc) =	sbr.rel @p0 .LBB2_8-.Ltmp2, $4  }
0x134: {  	s29 =	sor.u32 s8, s29;
	[tilespmem:s0+$0x15450] =	vst v62  }
0x135: {  	s2 =	sshrl.u32 s29, $0x3;
	[tilespmem:s0+$0x15460] =	vst v63  }
0x136: {  	s31 =	sadd.s32 s1, s2;
	[tilespmem:s0+$0x15420] =	vst v3  }
0x137: {  	[hbm4b:s31+s3] =	stream.linear.scatter [tilespmem:s22], [sflag:$0x4], $0x4000, $0x38;
	[tilespmem:$0x19000] =	vst v63  }
0x138: {  	s0 =	sshll.u32 s26, $0x8  }
0x139: {  	s11 =	sand.u32 $0x3FFFFF00, s0  }
0x13a: {  	v3 =	vld [tilespmem:s11+$0x100];
	_ =	sdelay $0x4  }
0x13b: {  	v4 =	vshll.u32 v3, $0x1  }
0x13c: {  	v3 =	vand.u32 $0x7, v3;
	v4 =	vand.u32 $0xFFFFFFF0, v4  }
0x13d: {  	v3 =	vor.u32 v3, v4  }
0x13e: {  	v4 =	vperm.xlane v3, v0;
	_ =	sdelay $0x1  }
0x13f: {  	v3 =	vperm.xlane v3, v2;
	v4 =	vadd.s32 v1, v4;
	_ =	sdelay $0x1  }
0x140: {  	v3 =	vadd.s32 v1, v3;
	_ =	sdelay $0x1  }
0x141: {  	s2 =	simm.s32 $0x1000  }
0x142: {  	[tilespmem:s2], [sflag:$0x1] =	stream.indirect_vreg.gather [hbm4b:s4+s3], $0x80, v4, vm0, $0xb8;
	[tilespmem:$0x19000] =	vst v63  }
0x143: {  	s10 =	simm.s32 $0x1800  }
0x144: {  	[tilespmem:s10], [sflag:$0x1] =	stream.indirect_vreg.gather [hbm4b:s4+s3], $0x80, v3, vm0, $0xb8;
	[tilespmem:$0x19000] =	vst v63  }
0x145: {  	v3 =	vld [tilespmem:s11+$0x110];
	_ =	sdelay $0x4  }
0x146: {  	v57 =	vshll.u32 v3, $0x1  }
0x147: {  	v3 =	vand.u32 $0x7, v3;
	v4 =	vand.u32 $0xFFFFFFF0, v57  }
0x148: {  	v3 =	vor.u32 v3, v4  }
0x149: {  	v4 =	vperm.xlane v3, v0;
	_ =	sdelay $0x1  }
0x14a: {  	v3 =	vperm.xlane v3, v2;
	v4 =	vadd.s32 v1, v4;
	_ =	sdelay $0x1  }
0x14b: {  	v3 =	vadd.s32 v1, v3;
	_ =	sdelay $0x1  }
0x14c: {  	s29 =	simm.s32 $0x2000  }
0x14d: {  	[tilespmem:s29], [sflag:$0x1] =	stream.indirect_vreg.gather [hbm4b:s4+s3], $0x80, v4, vm0, $0xb8;
	[tilespmem:$0x19000] =	vst v63  }
0x14e: {  	s31 =	simm.s32 $0x2800  }
0x14f: {  	[tilespmem:s31], [sflag:$0x1] =	stream.indirect_vreg.gather [hbm4b:s4+s3], $0x80, v3, vm0, $0xb8;
	[tilespmem:$0x19000] =	vst v63  }
0x150: {  	v3 =	vld [tilespmem:s11+$0x120];
	_ =	sdelay $0x4  }
0x151: {  	v58 =	vshll.u32 v3, $0x1  }
0x152: {  	v3 =	vand.u32 $0x7, v3;
	v4 =	vand.u32 $0xFFFFFFF0, v58  }
0x153: {  	v3 =	vor.u32 v3, v4  }
0x154: {  	v4 =	vperm.xlane v3, v0;
	_ =	sdelay $0x1  }
0x155: {  	v3 =	vperm.xlane v3, v2;
	v4 =	vadd.s32 v1, v4;
	_ =	sdelay $0x1  }
0x156: {  	v3 =	vadd.s32 v1, v3;
	_ =	sdelay $0x1  }
0x157: {  	s2 =	simm.s32 $0x3000  }
0x158: {  	[tilespmem:s2], [sflag:$0x1] =	stream.indirect_vreg.gather [hbm4b:s4+s3], $0x80, v4, vm0, $0xb8;
	[tilespmem:$0x19000] =	vst v63  }
0x159: {  	s10 =	simm.s32 $0x3800  }
0x15a: {  	[tilespmem:s10], [sflag:$0x1] =	stream.indirect_vreg.gather [hbm4b:s4+s3], $0x80, v3, vm0, $0xb8;
	[tilespmem:$0x19000] =	vst v63  }
0x15b: {  	v3 =	vld [tilespmem:s11+$0x130];
	_ =	sdelay $0x4  }
0x15c: {  	v59 =	vshll.u32 v3, $0x1  }
0x15d: {  	v3 =	vand.u32 $0x7, v3;
	v4 =	vand.u32 $0xFFFFFFF0, v59  }
0x15e: {  	v3 =	vor.u32 v3, v4  }
0x15f: {  	v4 =	vperm.xlane v3, v0;
	_ =	sdelay $0x1  }
0x160: {  	v3 =	vperm.xlane v3, v2;
	v4 =	vadd.s32 v1, v4;
	_ =	sdelay $0x1  }
0x161: {  	v3 =	vadd.s32 v1, v3;
	_ =	sdelay $0x1  }
0x162: {  	s29 =	simm.s32 $0x4000  }
0x163: {  	[tilespmem:s29], [sflag:$0x1] =	stream.indirect_vreg.gather [hbm4b:s4+s3], $0x80, v4, vm0, $0xb8;
	[tilespmem:$0x19000] =	vst v63  }
0x164: {  	s31 =	simm.s32 $0x4800  }
0x165: {  	[tilespmem:s31], [sflag:$0x1] =	stream.indirect_vreg.gather [hbm4b:s4+s3], $0x80, v3, vm0, $0xb8;
	[tilespmem:$0x19000] =	vst v63  }
0x166: {  	v3 =	vld [tilespmem:s11+$0x140];
	_ =	sdelay $0x4  }
0x167: {  	v60 =	vshll.u32 v3, $0x1  }
0x168: {  	v3 =	vand.u32 $0x7, v3;
	v4 =	vand.u32 $0xFFFFFFF0, v60  }
0x169: {  	v3 =	vor.u32 v3, v4  }
0x16a: {  	v4 =	vperm.xlane v3, v0;
	_ =	sdelay $0x1  }
0x16b: {  	v3 =	vperm.xlane v3, v2;
	v4 =	vadd.s32 v1, v4;
	_ =	sdelay $0x1  }
0x16c: {  	v3 =	vadd.s32 v1, v3;
	_ =	sdelay $0x1  }
0x16d: {  	s2 =	simm.s32 $0x5000  }
0x16e: {  	[tilespmem:s2], [sflag:$0x1] =	stream.indirect_vreg.gather [hbm4b:s4+s3], $0x80, v4, vm0, $0xb8;
	[tilespmem:$0x19000] =	vst v63  }
0x16f: {  	s10 =	simm.s32 $0x5800  }
0x170: {  	[tilespmem:s10], [sflag:$0x1] =	stream.indirect_vreg.gather [hbm4b:s4+s3], $0x80, v3, vm0, $0xb8;
	[tilespmem:$0x19000] =	vst v63  }
0x171: {  	v3 =	vld [tilespmem:s11+$0x150];
	_ =	sdelay $0x4  }
0x172: {  	v61 =	vshll.u32 v3, $0x1  }
0x173: {  	v3 =	vand.u32 $0x7, v3;
	v4 =	vand.u32 $0xFFFFFFF0, v61  }
0x174: {  	v3 =	vor.u32 v3, v4  }
0x175: {  	v4 =	vperm.xlane v3, v0;
	_ =	sdelay $0x1  }
0x176: {  	v3 =	vperm.xlane v3, v2;
	v4 =	vadd.s32 v1, v4;
	_ =	sdelay $0x1  }
0x177: {  	v3 =	vadd.s32 v1, v3;
	_ =	sdelay $0x1  }
0x178: {  	s29 =	simm.s32 $0x6000  }
0x179: {  	[tilespmem:s29], [sflag:$0x1] =	stream.indirect_vreg.gather [hbm4b:s4+s3], $0x80, v4, vm0, $0xb8;
	[tilespmem:$0x19000] =	vst v63  }
0x17a: {  	s31 =	simm.s32 $0x6800  }
0x17b: {  	[tilespmem:s31], [sflag:$0x1] =	stream.indirect_vreg.gather [hbm4b:s4+s3], $0x80, v3, vm0, $0xb8;
	[tilespmem:$0x19000] =	vst v63  }
0x17c: {  	v3 =	vld [tilespmem:s11+$0x160];
	_ =	sdelay $0x4  }
0x17d: {  	v62 =	vshll.u32 v3, $0x1  }
0x17e: {  	v3 =	vand.u32 $0x7, v3;
	v4 =	vand.u32 $0xFFFFFFF0, v62  }
0x17f: {  	v3 =	vor.u32 v3, v4  }
0x180: {  	v4 =	vperm.xlane v3, v0;
	_ =	sdelay $0x1  }
0x181: {  	v3 =	vperm.xlane v3, v2;
	v4 =	vadd.s32 v1, v4;
	_ =	sdelay $0x1  }
0x182: {  	v3 =	vadd.s32 v1, v3;
	_ =	sdelay $0x1  }
0x183: {  	s2 =	simm.s32 $0x7000  }
0x184: {  	[tilespmem:s2], [sflag:$0x1] =	stream.indirect_vreg.gather [hbm4b:s4+s3], $0x80, v4, vm0, $0xb8;
	[tilespmem:$0x19000] =	vst v63  }
0x185: {  	s10 =	simm.s32 $0x7800  }
0x186: {  	[tilespmem:s10], [sflag:$0x1] =	stream.indirect_vreg.gather [hbm4b:s4+s3], $0x80, v3, vm0, $0xb8;
	[tilespmem:$0x19000] =	vst v63  }
0x187: {  	v3 =	vld [tilespmem:s11+$0x170];
	_ =	sdelay $0x4  }
0x188: {  	v63 =	vshll.u32 v3, $0x1  }
0x189: {  	v3 =	vand.u32 $0x7, v3;
	v4 =	vand.u32 $0xFFFFFFF0, v63  }
0x18a: {  	v3 =	vor.u32 v3, v4  }
0x18b: {  	v4 =	vperm.xlane v3, v0;
	_ =	sdelay $0x1  }
0x18c: {  	v3 =	vperm.xlane v3, v2;
	v4 =	vadd.s32 v1, v4;
	_ =	sdelay $0x1  }
0x18d: {  	v3 =	vadd.s32 v1, v3;
	_ =	sdelay $0x1  }
0x18e: {  	s29 =	simm.s32 $0x8000  }
0x18f: {  	[tilespmem:s29], [sflag:$0x1] =	stream.indirect_vreg.gather [hbm4b:s4+s3], $0x80, v4, vm0, $0xb8;
	[tilespmem:$0x19000] =	vst v63  }
0x190: {  	s31 =	simm.s32 $0x8800  }
0x191: {  	[tilespmem:s31], [sflag:$0x1] =	stream.indirect_vreg.gather [hbm4b:s4+s3], $0x80, v3, vm0, $0xb8;
	[tilespmem:$0x19000] =	vst v63  }
.LBB2_8:
0x192: {  	_ =	swait.ge [sflag:s23], $0x8000  }
0x193: {  	[sflag:s23] =	ssyncset.done $0x0  }
0x194: {  	[sflag:s23] =	ssyncadd.s32 $0xFFFF8000  }
0x195: {  	s0 =	simm.s32 $0x0;
	_ =	swait.ge [sflag:s24], $0x4000  }
0x196: {  	s2 =	sand.u32 $0x3800, s0;
	s0 =	sand.u32 $0x380, s0;
	[sflag:s24] =	ssyncset.done $0x0  }
0x197: {  	s11 =	sor.u32 s0, s2;
	[sflag:s24] =	ssyncadd.s32 $0xFFFFC000  }
0x198: {  	v3 =	vld.msk [tilespmem:s11+$0x9470], $0xfff  }
0x199: {  	v4 =	vld [tilespmem:s11+$0x9000]  }
0x19a: {  	v5 =	vld [tilespmem:s11+$0x9010]  }
0x19b: {  	v6 =	vld [tilespmem:s11+$0x9020]  }
0x19c: {  	v7 =	vld [tilespmem:s11+$0x9030]  }
0x19d: {  	v8 =	vld [tilespmem:s11+$0x9040];
	[tilespmem:s11+$0x11470] =	vst.msk $0xfff, v3  }
0x19e: {  	[tilespmem:s11+$0x11000] =	vst v4;
	v3 =	vld [tilespmem:s11+$0x9050]  }
0x19f: {  	[tilespmem:s11+$0x11010] =	vst v5;
	v4 =	vld [tilespmem:s11+$0x9060]  }
0x1a0: {  	[tilespmem:s11+$0x11020] =	vst v6;
	v5 =	vld [tilespmem:s11+$0x9070]  }
0x1a1: {  	[tilespmem:s11+$0x11030] =	vst v7;
	v7 =	vld [tilespmem:s11+$0x9400]  }
0x1a2: {  	[tilespmem:s11+$0x11040] =	vst v8;
	v6 =	vld [tilespmem:s11+$0x9410]  }
0x1a3: {  	[tilespmem:s11+$0x11050] =	vst v3;
	v3 =	vld [tilespmem:s11+$0x9420]  }
0x1a4: {  	[tilespmem:s11+$0x11060] =	vst v4;
	v4 =	vld [tilespmem:s11+$0x9430]  }
0x1a5: {  	s31 =	simm.s32 $0x100;
	s29 =	simm.s32 $0x80;
	[tilespmem:s11+$0x11070] =	vst v5;
	v5 =	vld [tilespmem:s11+$0x9440]  }
0x1a6: {  	s10 =	sand.u32 $0x380, s29;
	s2 =	sand.u32 $0x3800, s31;
	s0 =	simm.s32 $0x200;
	[tilespmem:s11+$0x11400] =	vst v7;
	v7 =	vld [tilespmem:s11+$0x9450]  }
.LBB2_9:
0x1a7: {  	p0 =	sne.s32 s0, $0x3F00;
	s2 =	sor.u32 s10, s2;
	[tilespmem:s11+$0x11410] =	vst v6;
	v6 =	vld [tilespmem:s11+$0x9460]  }
0x1a8: {  	v8 =	vld.msk [tilespmem:s2+$0x9470], $0xfff;
	[tilespmem:s11+$0x11420] =	vst v3  }
0x1a9: {  	v3 =	vld [tilespmem:s2+$0x9000];
	[tilespmem:s11+$0x11430] =	vst v4  }
0x1aa: {  	v4 =	vld [tilespmem:s2+$0x9010];
	[tilespmem:s11+$0x11440] =	vst v5  }
0x1ab: {  	v5 =	vld [tilespmem:s2+$0x9020];
	[tilespmem:s11+$0x11450] =	vst v7  }
0x1ac: {  	v7 =	vld [tilespmem:s2+$0x9030];
	[tilespmem:s11+$0x11460] =	vst v6;
	s11 =	smov.u32 s2  }
0x1ad: {  	v6 =	vld [tilespmem:s11+$0x9040];
	[tilespmem:s11+$0x11470] =	vst.msk $0xfff, v8  }
0x1ae: {  	[tilespmem:s11+$0x11000] =	vst v3;
	v3 =	vld [tilespmem:s11+$0x9050]  }
0x1af: {  	[tilespmem:s11+$0x11010] =	vst v4;
	v4 =	vld [tilespmem:s11+$0x9060]  }
0x1b0: {  	[tilespmem:s11+$0x11020] =	vst v5;
	v5 =	vld [tilespmem:s11+$0x9070]  }
0x1b1: {  	[tilespmem:s11+$0x11030] =	vst v7;
	v7 =	vld [tilespmem:s11+$0x9400]  }
.Ltmp3:
0x1b2: {  	[tilespmem:s11+$0x11040] =	vst v6;
	v6 =	vld [tilespmem:s11+$0x9410];
	(pc) =	sbr.rel @p0 .LBB2_9-.Ltmp3, $4  }
0x1b3: {  	[tilespmem:s11+$0x11050] =	vst v3;
	v3 =	vld [tilespmem:s11+$0x9420]  }
0x1b4: {  	[tilespmem:s11+$0x11060] =	vst v4;
	v4 =	vld [tilespmem:s11+$0x9430]  }
0x1b5: {  	s29 =	sadd.s32 $0x80, s29;
	[tilespmem:s11+$0x11070] =	vst v5;
	v5 =	vld [tilespmem:s11+$0x9440]  }
0x1b6: {  	s10 =	sand.u32 $0x380, s29;
	s2 =	sand.u32 $0x3800, s0;
	s0 =	sadd.s32 $0x100, s0;
	[tilespmem:s11+$0x11400] =	vst v7;
	v7 =	vld [tilespmem:s11+$0x9450]  }
0x1b7: {  	[tilespmem:s11+$0x11410] =	vst v6;
	s0 =	sor.u32 s10, s2;
	v6 =	vld [tilespmem:s11+$0x9460]  }
0x1b8: {  	v8 =	vld.msk [tilespmem:s0+$0x9470], $0xfff;
	[tilespmem:s11+$0x11420] =	vst v3  }
0x1b9: {  	v3 =	vld [tilespmem:s0+$0x9000];
	[tilespmem:s11+$0x11430] =	vst v4  }
0x1ba: {  	v4 =	vld [tilespmem:s0+$0x9010];
	[tilespmem:s11+$0x11440] =	vst v5  }
0x1bb: {  	v5 =	vld [tilespmem:s0+$0x9020];
	[tilespmem:s11+$0x11450] =	vst v7  }
0x1bc: {  	v7 =	vld [tilespmem:s0+$0x9030];
	[tilespmem:s11+$0x11460] =	vst v6  }
0x1bd: {  	v6 =	vld [tilespmem:s0+$0x9040];
	[tilespmem:s0+$0x11470] =	vst.msk $0xfff, v8  }
0x1be: {  	[tilespmem:s0+$0x11000] =	vst v3;
	v3 =	vld [tilespmem:s0+$0x9050]  }
0x1bf: {  	[tilespmem:s0+$0x11010] =	vst v4;
	v4 =	vld [tilespmem:s0+$0x9060]  }
0x1c0: {  	[tilespmem:s0+$0x11020] =	vst v5;
	v5 =	vld [tilespmem:s0+$0x9070]  }
0x1c1: {  	[tilespmem:s0+$0x11030] =	vst v7;
	v7 =	vld [tilespmem:s0+$0x9400]  }
0x1c2: {  	[tilespmem:s0+$0x11040] =	vst v6;
	v6 =	vld [tilespmem:s0+$0x9410]  }
0x1c3: {  	[tilespmem:s0+$0x11050] =	vst v3;
	v3 =	vld [tilespmem:s0+$0x9420]  }
0x1c4: {  	[tilespmem:s0+$0x11060] =	vst v4;
	v4 =	vld [tilespmem:s0+$0x9430]  }
0x1c5: {  	[tilespmem:s0+$0x11070] =	vst v5;
	v5 =	vld [tilespmem:s0+$0x9440]  }
0x1c6: {  	[tilespmem:s0+$0x11400] =	vst v7;
	v7 =	vld [tilespmem:s0+$0x9450]  }
0x1c7: {  	[tilespmem:s0+$0x11410] =	vst v6;
	v6 =	vld [tilespmem:s0+$0x9460]  }
0x1c8: {  	[tilespmem:s0+$0x11420] =	vst v3  }
0x1c9: {  	s28 =	sshll.u32 s28, $0x14;
	[tilespmem:s0+$0x11430] =	vst v4  }
0x1ca: {  	s31 =	sor.u32 s6, s28;
	[tilespmem:s0+$0x11440] =	vst v5  }
0x1cb: {  	s2 =	sshrl.u32 s31, $0x3;
	[tilespmem:s0+$0x11450] =	vst v7  }
0x1cc: {  	s10 =	simm.s32 $0x0;
	s2 =	sadd.s32 s1, s2;
	[tilespmem:s0+$0x11460] =	vst v6  }
0x1cd: {  	[hbm4b:s2+s10] =	stream.linear.scatter [tilespmem:s21], [sflag:$0x3], $0x4000, $0x38;
	[tilespmem:$0x19000] =	vst v63  }
0x1ce: {  	_ =	swait.ge [sflag:s25], $0x4000  }
0x1cf: {  	s11 =	sand.u32 $0x3800, s10;
	s2 =	sand.u32 $0x380, s10;
	[sflag:s25] =	ssyncset.done $0x0  }
0x1d0: {  	s11 =	sor.u32 s2, s11;
	[sflag:s25] =	ssyncadd.s32 $0xFFFFC000  }
0x1d1: {  	v3 =	vld.msk [tilespmem:s11+$0xD470], $0xfff  }
0x1d2: {  	v4 =	vld [tilespmem:s11+$0xD000]  }
0x1d3: {  	v5 =	vld [tilespmem:s11+$0xD010]  }
0x1d4: {  	v6 =	vld [tilespmem:s11+$0xD020]  }
0x1d5: {  	v7 =	vld [tilespmem:s11+$0xD030]  }
0x1d6: {  	v8 =	vld [tilespmem:s11+$0xD040];
	[tilespmem:s11+$0x15470] =	vst.msk $0xfff, v3  }
0x1d7: {  	[tilespmem:s11+$0x15000] =	vst v4;
	v3 =	vld [tilespmem:s11+$0xD050]  }
0x1d8: {  	[tilespmem:s11+$0x15010] =	vst v5;
	v4 =	vld [tilespmem:s11+$0xD060]  }
0x1d9: {  	[tilespmem:s11+$0x15020] =	vst v6;
	v5 =	vld [tilespmem:s11+$0xD070]  }
0x1da: {  	[tilespmem:s11+$0x15030] =	vst v7;
	v7 =	vld [tilespmem:s11+$0xD400]  }
0x1db: {  	[tilespmem:s11+$0x15040] =	vst v8;
	v6 =	vld [tilespmem:s11+$0xD410]  }
0x1dc: {  	[tilespmem:s11+$0x15050] =	vst v3;
	v3 =	vld [tilespmem:s11+$0xD420]  }
0x1dd: {  	[tilespmem:s11+$0x15060] =	vst v4;
	v4 =	vld [tilespmem:s11+$0xD430]  }
0x1de: {  	s29 =	simm.s32 $0x80;
	s31 =	simm.s32 $0x100;
	[tilespmem:s11+$0x15070] =	vst v5;
	v5 =	vld [tilespmem:s11+$0xD440]  }
0x1df: {  	s0 =	simm.s32 $0x200;
	s10 =	sand.u32 $0x380, s29;
	s2 =	sand.u32 $0x3800, s31;
	[tilespmem:s11+$0x15400] =	vst v7;
	v7 =	vld [tilespmem:s11+$0xD450]  }
.LBB2_11:
0x1e0: {  	p0 =	sne.s32 s0, $0x3F00;
	s2 =	sor.u32 s10, s2;
	[tilespmem:s11+$0x15410] =	vst v6;
	v6 =	vld [tilespmem:s11+$0xD460]  }
0x1e1: {  	v8 =	vld.msk [tilespmem:s2+$0xD470], $0xfff;
	[tilespmem:s11+$0x15420] =	vst v3  }
0x1e2: {  	v3 =	vld [tilespmem:s2+$0xD000];
	[tilespmem:s11+$0x15430] =	vst v4  }
0x1e3: {  	v4 =	vld [tilespmem:s2+$0xD010];
	[tilespmem:s11+$0x15440] =	vst v5  }
0x1e4: {  	v5 =	vld [tilespmem:s2+$0xD020];
	[tilespmem:s11+$0x15450] =	vst v7  }
0x1e5: {  	v7 =	vld [tilespmem:s2+$0xD030];
	[tilespmem:s11+$0x15460] =	vst v6;
	s11 =	smov.u32 s2  }
0x1e6: {  	v6 =	vld [tilespmem:s11+$0xD040];
	[tilespmem:s11+$0x15470] =	vst.msk $0xfff, v8  }
0x1e7: {  	[tilespmem:s11+$0x15000] =	vst v3;
	v3 =	vld [tilespmem:s11+$0xD050]  }
0x1e8: {  	[tilespmem:s11+$0x15010] =	vst v4;
	v4 =	vld [tilespmem:s11+$0xD060]  }
0x1e9: {  	[tilespmem:s11+$0x15020] =	vst v5;
	v5 =	vld [tilespmem:s11+$0xD070]  }
0x1ea: {  	[tilespmem:s11+$0x15030] =	vst v7;
	v7 =	vld [tilespmem:s11+$0xD400]  }
.Ltmp4:
0x1eb: {  	[tilespmem:s11+$0x15040] =	vst v6;
	v6 =	vld [tilespmem:s11+$0xD410];
	(pc) =	sbr.rel @p0 .LBB2_11-.Ltmp4, $4  }
0x1ec: {  	[tilespmem:s11+$0x15050] =	vst v3;
	v3 =	vld [tilespmem:s11+$0xD420]  }
0x1ed: {  	[tilespmem:s11+$0x15060] =	vst v4;
	v4 =	vld [tilespmem:s11+$0xD430]  }
0x1ee: {  	s29 =	sadd.s32 $0x80, s29;
	[tilespmem:s11+$0x15070] =	vst v5;
	v5 =	vld [tilespmem:s11+$0xD440]  }
0x1ef: {  	s10 =	sand.u32 $0x380, s29;
	s2 =	sand.u32 $0x3800, s0;
	s0 =	sadd.s32 $0x100, s0;
	[tilespmem:s11+$0x15400] =	vst v7;
	v7 =	vld [tilespmem:s11+$0xD450]  }
0x1f0: {  	[tilespmem:s11+$0x15410] =	vst v6;
	s0 =	sor.u32 s10, s2;
	v55 =	vld [tilespmem:s11+$0xD460]  }
0x1f1: {  	v8 =	vld.msk [tilespmem:s0+$0xD470], $0xfff;
	[tilespmem:s11+$0x15420] =	vst v3  }
0x1f2: {  	v3 =	vld [tilespmem:s0+$0xD000];
	[tilespmem:s11+$0x15430] =	vst v4  }
0x1f3: {  	v4 =	vld [tilespmem:s0+$0xD010];
	[tilespmem:s11+$0x15440] =	vst v5  }
0x1f4: {  	v5 =	vld [tilespmem:s0+$0xD020];
	[tilespmem:s11+$0x15450] =	vst v7  }
0x1f5: {  	v7 =	vld [tilespmem:s0+$0xD030];
	[tilespmem:s11+$0x15460] =	vst v55  }
0x1f6: {  	v6 =	vld [tilespmem:s0+$0xD040];
	[tilespmem:s0+$0x15470] =	vst.msk $0xfff, v8  }
0x1f7: {  	v56 =	vld [tilespmem:s0+$0xD060];
	[tilespmem:s0+$0x15000] =	vst v3  }
0x1f8: {  	v57 =	vld [tilespmem:s0+$0xD070];
	[tilespmem:s0+$0x15010] =	vst v4  }
0x1f9: {  	v58 =	vld [tilespmem:s0+$0xD400];
	[tilespmem:s0+$0x15020] =	vst v5  }
0x1fa: {  	v59 =	vld [tilespmem:s0+$0xD410];
	[tilespmem:s0+$0x15030] =	vst v7  }
0x1fb: {  	v3 =	vld [tilespmem:s0+$0xD050];
	[tilespmem:s0+$0x15040] =	vst v6  }
0x1fc: {  	v60 =	vld [tilespmem:s0+$0xD430];
	[tilespmem:s0+$0x15060] =	vst v56  }
0x1fd: {  	v61 =	vld [tilespmem:s0+$0xD440];
	[tilespmem:s0+$0x15070] =	vst v57  }
0x1fe: {  	v62 =	vld [tilespmem:s0+$0xD450];
	[tilespmem:s0+$0x15400] =	vst v58  }
0x1ff: {  	v63 =	vld [tilespmem:s0+$0xD460];
	[tilespmem:s0+$0x15410] =	vst v59  }
0x200: {  	s26 =	sadd.s32 $0x1, s26;
	[tilespmem:s0+$0x15050] =	vst v3;
	v3 =	vld [tilespmem:s0+$0xD420]  }
0x201: {  	p0 =	sne.s32 s26, $0xD;
	[tilespmem:s0+$0x15430] =	vst v60  }
.Ltmp5:
0x202: {  	[tilespmem:s0+$0x15440] =	vst v61;
	(pc) =	sbr.rel @p0 .LBB2_2-.Ltmp5, $4  }
0x203: {  	s29 =	sor.u32 s8, s28;
	[tilespmem:s0+$0x15450] =	vst v62  }
0x204: {  	s2 =	sshrl.u32 s29, $0x3;
	[tilespmem:s0+$0x15460] =	vst v63  }
0x205: {  	s31 =	sadd.s32 s1, s2;
	[tilespmem:s0+$0x15420] =	vst v3  }
0x206: {  	[hbm4b:s31+s3] =	stream.linear.scatter [tilespmem:s22], [sflag:$0x4], $0x4000, $0x38;
	[tilespmem:$0x19000] =	vst v63  }
0x207: {  	_ =	swait.ge [sflag:s24], $0x4000  }
0x208: {  	[sflag:s24] =	ssyncset.done $0x0  }
0x209: {  	[sflag:s24] =	ssyncadd.s32 $0xFFFFC000  }
0x20a: {  	_ =	swait.ge [sflag:s25], $0x4000  }
0x20b: {  	s2 =	rddreg [dreg:$0x7]  }
0x20c: {  	s0 =	rddreg [dreg:$0x6];
	s2 =	sadd.s32 $0x1, s2  }
0x20d: {  	p0 =	sne.s32 s2, s0  }
.Ltmp6:
0x20e: {  	_ = 	snop;
	(pc) =	sbr.rel @p0 .LBB2_1-.Ltmp6, $3  }
0x20f: {  	_ =	sdelay $0x1  }
0x210: {  	[sflag:s25] =	ssyncset.done $0x0  }
0x211: {  	[sflag:s25] =	ssyncadd.s32 $0xFFFFC000  }
0x212: {  	_ =	sfence.sel $0x180000  }
0x213: {  	[bflag:$0x0] =	sbarrier.arrive $0xFFFF  }
0x214: {  	_ =	strace $0x90000047  }
0x215: {  	s0 =	stileid.u32;
	[bflag:$0x2] =	sbarrier.arrive $0xFFFF  }
0x216: {  	p0 =	sne.s32 s0, $0x0;
	s0 =	rddreg [dreg:$0x3]  }
0x217: {  	s0 =	sadd.s32 @!p0 $0x100000, s0  }
0x218: {  	[sflag:s0] =	ssyncadd.tile.s32 @!p0 $0x1;
	_ =	shalt  }
.Lfunc_end2:
_tile_overlayer_lowered:
.L_overlay_start_2:
0x219: {  	(tag) =	ssettag $0x2  }
0x21a: {  	s0 =	rddreg [dreg:$0x0];
	s2 =	stileid.u32  }
0x21b: {  	s1 =	rddreg [dreg:$0x1];
	p0 =	sne.s32 s2, $0x0  }
0x21c: {  	s3 =	rddreg [dreg:$0x2];
	[bflag:$0x3] =	sbarrier.arrive $0xFFFF;
	s2 =	simm.s32 @!p0 $0x1C05  }
0x21d: {  	[timem:s3], [sflag:s2] =	dma.local @!p0 [hbm:s0], s1  }
0x21e: {  	s0 =	simm.s32 @!p0 $0x5  }
0x21f: {  	_ =	swait.ge @!p0 [sflag:s0], s1  }
0x220: {  	s1 =	ssub.s32 @!p0 $0x0, s1;
	[sflag:s0] =	ssyncset.done @!p0 $0x0  }
0x221: {  	[sflag:s0] =	ssyncadd.s32 @!p0 s1  }
0x222: {  	[bflag:$0x3] =	sbarrier.arrive $0xFFFF  }
0x223: {  	_ =	shalt  }

</sc_bundles>
